<compile_context>
chip_gen: v7x
topology: tpu7x:2x2x1
jax: 0.10.2.dev20260603
libtpu: 0.0.44.dev20260713+nightly
codegen_flags: <defaults>
</compile_context>

<pallas_src>
import functools

import jax
import jax.numpy as jnp
from jax import lax
from jax.experimental import pallas as pl
from jax.experimental.pallas import tpu as pltpu
from jax.experimental.pallas import tpu_sc as plsc

N = 10000
D = 128
R = 200
E = 320000
SLOPE = (1.0 / 8.0 + 1.0 / 3.0) / 2.0

NPAD = 10240
ROWS_PER_TILE = NPAD // 16
ROW_CHUNK = 128
CH = 128
NW = 32
CPTA = 160
CPTB = 80
EPH = 16 * CPTA * CH
REPK = 128



def _dotT(x, w):
    return lax.dot_general(x, w, (((1,), (1,)), ((), ())),
                           preferred_element_type=jnp.float32)


def _mid_body(pa_ref, pb_ref, norm_ref, ent_ref, wr0_ref, wl0_ref, wl1_ref,
              h1_ref, s1_ref):
    agg = pa_ref[0] + pb_ref[0]
    h1 = _dotT(agg, wr0_ref[...]) * norm_ref[...] + _dotT(ent_ref[...], wl0_ref[...])
    h1 = jnp.where(h1 >= 0, h1, SLOPE * h1)
    h1_ref[...] = h1
    s1_ref[...] = _dotT(h1, wl1_ref[...])


def _mid_tc(p, norm, ent, wr0, wl0, wl1):
    return pl.pallas_call(
        _mid_body,
        grid=(25,),
        in_specs=[
            pl.BlockSpec((1, 400, D), lambda i: (0, i, 0)),
            pl.BlockSpec((1, 400, D), lambda i: (1, i, 0)),
            pl.BlockSpec((400, 1), lambda i: (i, 0)),
            pl.BlockSpec((400, D), lambda i: (i, 0)),
            pl.BlockSpec((D, D), lambda i: (0, 0)),
            pl.BlockSpec((D, D), lambda i: (0, 0)),
            pl.BlockSpec((D, D), lambda i: (0, 0)),
        ],
        out_specs=[
            pl.BlockSpec((400, D), lambda i: (i, 0)),
            pl.BlockSpec((400, D), lambda i: (i, 0)),
        ],
        out_shape=[
            jax.ShapeDtypeStruct((N, D), jnp.float32),
            jax.ShapeDtypeStruct((N, D), jnp.float32),
        ],
    )(p, p, norm, ent, wr0, wl0, wl1)


def _fin_body(pb0_ref, pb1_ref, pa1_ref, norm_ref, s1_ref, wr1_ref, o_ref):
    agg = pb0_ref[0] + pb1_ref[0] + pa1_ref[0]
    h = _dotT(agg, wr1_ref[...]) * norm_ref[...] + s1_ref[...]
    o_ref[...] = jnp.where(h >= 0, h, SLOPE * h)


def _fin_tc(pb, pa, norm, s1, wr1):
    return pl.pallas_call(
        _fin_body,
        grid=(25,),
        in_specs=[
            pl.BlockSpec((1, 400, D), lambda i: (0, i, 0)),
            pl.BlockSpec((1, 400, D), lambda i: (1, i, 0)),
            pl.BlockSpec((1, 400, D), lambda i: (1, i, 0)),
            pl.BlockSpec((400, 1), lambda i: (i, 0)),
            pl.BlockSpec((400, D), lambda i: (i, 0)),
            pl.BlockSpec((D, D), lambda i: (0, 0)),
        ],
        out_specs=pl.BlockSpec((400, D), lambda i: (i, 0)),
        out_shape=jax.ShapeDtypeStruct((N, D), jnp.float32),
    )(pb, pb, pa, norm, s1, wr1)



_SC_MESH = plsc.VectorSubcoreMesh(core_axis_name="c", subcore_axis_name="s")


def _make_sc_scatter(cpt):
    @functools.partial(
        pl.kernel,
        mesh=_SC_MESH,
        out_type=jax.ShapeDtypeStruct((2, NPAD, D), jnp.float32),
        scratch_types=[
            pltpu.VMEM((2, CH), jnp.int32),
            pltpu.VMEM((2, CH), jnp.int32),
            pltpu.VMEM((2, CH), jnp.int32),
            pltpu.VMEM((2, CH), jnp.int32),
            pltpu.VMEM((CH, D), jnp.float32),
            pltpu.VMEM_SHARED((NPAD, D), jnp.float32),
            pltpu.SemaphoreType.DMA,
            pltpu.SemaphoreType.DMA,
            pltpu.SemaphoreType.DMA,
            pltpu.SemaphoreType.DMA,
            pltpu.SemaphoreType.DMA,
        ],
    )
    def _sc_scatter(g_hbm, gd_hbm, out_hbm, gd_v0, gd_v1, gd_v2, gd_v3,
                    rows_v, acc_sh, sem, isem0, isem1, isem2, isem3):
        cid = lax.axis_index("c")
        sid = lax.axis_index("s")
        wid = cid * 16 + sid

        def zfill(i, carry):
            r = i // 8
            c = (i % 8) * 16
            rows_v[r, pl.ds(c, 16)] = jnp.zeros((16,), jnp.float32)
            return carry
        lax.fori_loop(0, ROW_CHUNK * 8, zfill, 0)
        rowbase = sid * ROWS_PER_TILE
        zsrc = rows_v.at[pl.ds(0, ROW_CHUNK)]

        def zcopy(k, carry):
            pltpu.sync_copy(zsrc, acc_sh.at[pl.ds(rowbase + k * ROW_CHUNK, ROW_CHUNK)])
            return carry
        lax.fori_loop(0, ROWS_PER_TILE // ROW_CHUNK, zcopy, 0)
        plsc.subcore_barrier()

        cbase = wid * cpt
        gd_bufs = (gd_v0, gd_v1, gd_v2, gd_v3)
        isems = (isem0, isem1, isem2, isem3)

        def body(i, carry):
            b = cbase + 4 * i
            ds = [pltpu.async_copy(gd_hbm.at[b + j], gd_bufs[j], isems[j])
                  for j in range(4)]
            for j in range(4):
                ds[j].wait()
                pltpu.async_copy(g_hbm.at[gd_bufs[j].at[0]], rows_v, sem).wait()
                pltpu.sync_copy(rows_v, acc_sh.at[gd_bufs[j].at[1]], add=True)
            return carry
        lax.fori_loop(0, cpt // 4, body, 0)
        plsc.subcore_barrier()

        def ocopy(k, carry):
            pltpu.sync_copy(acc_sh.at[pl.ds(rowbase + k * ROW_CHUNK, ROW_CHUNK)], zsrc)
            pltpu.sync_copy(zsrc, out_hbm.at[cid, pl.ds(rowbase + k * ROW_CHUNK, ROW_CHUNK)])
            return carry
        lax.fori_loop(0, ROWS_PER_TILE // ROW_CHUNK, ocopy, 0)

    return _sc_scatter


_sc_scatter_a = _make_sc_scatter(CPTA)
_sc_scatter_b = _make_sc_scatter(CPTB)



def kernel(ent_embed, rel_embed, norm, W_rel_0, W_loop_0, W_rel_1, W_loop_1,
           edge_index, rel_id):
    src = edge_index[0]
    dst = edge_index[1]
    rel_spread = rel_id + N + R * (jnp.arange(E, dtype=jnp.int32) % REPK)

    def tiled(entries, ntiles, padvals):
        per = E // ntiles
        padblk = jnp.broadcast_to(padvals, (ntiles, padvals.shape[0]))
        return jnp.concatenate([entries.reshape(ntiles, per), padblk],
                               axis=1).reshape(-1)

    pad_a = 16 * CPTA * CH // 16 - E // 16
    pad_b = 32 * CPTB * CH // 32 - E // 32
    pg_a = jnp.arange(pad_a, dtype=jnp.int32) % N
    pd_a = N + jnp.arange(pad_a, dtype=jnp.int32) % (NPAD - N)
    pg_b = jnp.arange(pad_b, dtype=jnp.int32) % N
    pd_b = N + jnp.arange(pad_b, dtype=jnp.int32) % (NPAD - N)
    def chunked(gidx, ddst):
        return jnp.stack([gidx.reshape(-1, CH), ddst.reshape(-1, CH)], axis=1)

    dst_a_half = tiled(dst, 16, pd_a)
    gd_a = chunked(
        jnp.concatenate([tiled(src, 16, pg_a), tiled(rel_spread, 16, pg_a)]),
        jnp.concatenate([dst_a_half, dst_a_half]))
    gd_b = chunked(tiled(src, 32, pg_b), tiled(dst, 32, pd_b))
    table_a = jnp.concatenate([ent_embed, jnp.tile(rel_embed, (REPK, 1))], axis=0)

    p_a = _sc_scatter_a(table_a, gd_a)
    h1, s1 = _mid_tc(p_a, norm, ent_embed, W_rel_0, W_loop_0, W_loop_1)
    p_b = _sc_scatter_b(h1, gd_b)
    return _fin_tc(p_b, p_a, norm, s1, W_rel_1)

# --- scband reference (transcript-rebuilt; emitter-appended) ---
"""Pipeline reference for scband-rgcn-17016660426944 (READ-ONLY COPY).

The authoritative reference and input builder live on the scoring server;
editing this copy changes nothing except your own understanding.
"""

import jax, jax.numpy as jnp
import numpy as np

N = 10000
E = 320000
D = 128
R = 200
SLOPE = (1.0 / 8.0 + 1.0 / 3.0) / 2.0  # RReLU eval-mode slope = (lower+upper)/2


def setup_inputs(seed: int = 0) -> dict:
    key = jax.random.key(seed)
    ks = jax.random.split(key, 10)
    ent_embed = jax.random.normal(ks[0], (N, D), dtype=jnp.float32)
    rel_embed = jax.random.normal(ks[1], (R, D), dtype=jnp.float32)
    norm = jax.random.uniform(ks[2], (N, 1), dtype=jnp.float32)
    edge_index = jax.random.randint(ks[3], (2, E), 0, N, dtype=jnp.int32)
    rel_id = jax.random.randint(ks[4], (E,), 0, R, dtype=jnp.int32)
    b = 1.0 / np.sqrt(D)
    W_rel_0 = jax.random.uniform(ks[5], (D, D), minval=-b, maxval=b, dtype=jnp.float32)
    W_loop_0 = jax.random.uniform(ks[6], (D, D), minval=-b, maxval=b, dtype=jnp.float32)
    W_rel_1 = jax.random.uniform(ks[7], (D, D), minval=-b, maxval=b, dtype=jnp.float32)
    W_loop_1 = jax.random.uniform(ks[8], (D, D), minval=-b, maxval=b, dtype=jnp.float32)
    return {
        "ent_embed": ent_embed,
        "rel_embed": rel_embed,
        "norm": norm,
        "W_rel_0": W_rel_0,
        "W_loop_0": W_loop_0,
        "W_rel_1": W_rel_1,
        "W_loop_1": W_loop_1,
        "edge_index": edge_index,
        "rel_id": rel_id,
    }


def reference(ent_embed, rel_embed, norm, W_rel_0, W_loop_0, W_rel_1, W_loop_1, edge_index, rel_id):
    src = edge_index[0]
    dst = edge_index[1]
    # graph.edata['h'] = rel_embed[rel_id]  (set once, reused across layers)
    edge_h = jnp.take(rel_embed, rel_id, axis=0)
    h = ent_embed
    for (Wr, Wl) in ((W_rel_0, W_loop_0), (W_rel_1, W_loop_1)):
        # self-loop message: loop_linear(h)
        self_msg = h @ Wl.T
        # message_fn: rel_linear(edge_h + h[src])
        msg = (edge_h + jnp.take(h, src, axis=0)) @ Wr.T
        # sum aggregation over destination nodes
        agg = jax.ops.segment_sum(msg, dst, num_segments=N)
        # apply_fn: multiply by per-node norm, then add self message
        h = agg * norm + self_msg
        # RReLU (eval mode -> deterministic leaky relu with mean slope)
        h = jnp.where(h >= 0, h, SLOPE * h)
    return h

if __name__ == "__main__":
    import jax
    _d = setup_inputs()
    print(jax.jit(kernel)(*tuple(_d.values())))

</pallas_src>

<mosaic_0001>
#map = affine_map<(d0, d1) -> (0, 0)>
#map1 = affine_map<(d0, d1) -> (0, 0, 0)>
module attributes {stable_mosaic.version = 14 : i64} {
  func.func @_sc_scatter(%arg0: i32, %arg1: i32, %arg2: memref<35600x128xf32, #tpu.memory_space<hbm>>, %arg3: memref<5120x2x128xi32, #tpu.memory_space<hbm>>, %arg4: memref<2x10240x128xf32, #tpu.memory_space<hbm>>, %arg5: memref<2x128xi32, #tpu.memory_space<vmem>>, %arg6: memref<2x128xi32, #tpu.memory_space<vmem>>, %arg7: memref<2x128xi32, #tpu.memory_space<vmem>>, %arg8: memref<2x128xi32, #tpu.memory_space<vmem>>, %arg9: memref<128x128xf32, #tpu.memory_space<vmem>>, %arg10: memref<10240x128xf32, #tpu.memory_space<vmem_shared>>, %arg11: memref<!tpu.dma_semaphore, #tpu.memory_space<semaphore_mem>>, %arg12: memref<!tpu.dma_semaphore, #tpu.memory_space<semaphore_mem>>, %arg13: memref<!tpu.dma_semaphore, #tpu.memory_space<semaphore_mem>>, %arg14: memref<!tpu.dma_semaphore, #tpu.memory_space<semaphore_mem>>, %arg15: memref<!tpu.dma_semaphore, #tpu.memory_space<semaphore_mem>>) attributes {dimension_semantics = [#tpu.dimension_semantics<core_parallel>, #tpu.dimension_semantics<subcore_parallel>], iteration_bounds = array<i64: 2, 16>, scalar_prefetch = 0 : i64, scratch_operands = 11 : i64, tpu.core_type = #tpu.core_type<sc_vector_subcore>, window_params = [{transform_indices = #map}, {transform_indices = #map1}, {transform_indices = #map1}]} {
    %mul3A = arith.constant 16 : i32
    %mul3A_0 = arith.muli %arg0, %mul3A : i32
    %add3A = arith.addi %mul3A_0, %arg1 : i32
    %scan3A = arith.constant 0 : i32
    %scan3A_1 = arith.constant 0 : i32
    %scan3A_2 = arith.constant 1024 : i32
    %scan3A_3 = arith.addi %scan3A_1, %scan3A_2 : i32
    %scan3A_4 = arith.constant 1 : i32
    scf.for %scan3A_29 = %scan3A_1 to %scan3A_3 step %scan3A_4  : i32 {
      %jit3A = arith.constant 8 : i32
      %div3A = arith.divsi %scan3A_29, %jit3A : i32
      %sign3A = arith.constant 0 : i32
      %sign3A_30 = arith.cmpi sgt, %scan3A_29, %sign3A : i32
      %sign3A_31 = arith.extui %sign3A_30 : i1 to i32
      %sign3A_32 = arith.constant 0 : i32
      %sign3A_33 = arith.cmpi slt, %scan3A_29, %sign3A_32 : i32
      %sign3A_34 = arith.extui %sign3A_33 : i1 to i32
      %sign3A_35 = arith.subi %sign3A_31, %sign3A_34 : i32
      %sign3A_36 = arith.constant 0 : i32
      %sign3A_37 = arith.cmpi sgt, %jit3A, %sign3A_36 : i32
      %sign3A_38 = arith.extui %sign3A_37 : i1 to i32
      %sign3A_39 = arith.constant 0 : i32
      %sign3A_40 = arith.cmpi slt, %jit3A, %sign3A_39 : i32
      %sign3A_41 = arith.extui %sign3A_40 : i1 to i32
      %sign3A_42 = arith.subi %sign3A_38, %sign3A_41 : i32
      %ne3A = arith.cmpi ne, %sign3A_35, %sign3A_42 : i32
      %rem3A = arith.remsi %scan3A_29, %jit3A : i32
      %ne3A_43 = arith.constant 0 : i32
      %ne3A_44 = arith.cmpi ne, %rem3A, %ne3A_43 : i32
      %and3A = arith.andi %ne3A, %ne3A_44 : i1
      %sub3A = arith.constant 1 : i32
      %sub3A_45 = arith.subi %div3A, %sub3A : i32
      %select_n3A = arith.select %and3A, %sub3A_45, %div3A : i32
      %jit3A_46 = arith.constant 8 : i32
      %eq3A = arith.constant 0 : i32
      %eq3A_47 = arith.cmpi eq, %jit3A_46, %eq3A : i32
      %jit3A_48 = arith.constant 1 : i32
      %select_n3A_49 = arith.select %eq3A_47, %jit3A_48, %jit3A_46 : i32
      %rem3A_50 = arith.remsi %scan3A_29, %select_n3A_49 : i32
      %ne3A_51 = arith.constant 0 : i32
      %ne3A_52 = arith.cmpi ne, %rem3A_50, %ne3A_51 : i32
      %lt3A = arith.constant 0 : i32
      %lt3A_53 = arith.cmpi slt, %rem3A_50, %lt3A : i32
      %lt3A_54 = arith.constant 0 : i32
      %lt3A_55 = arith.cmpi slt, %select_n3A_49, %lt3A_54 : i32
      %ne3A_56 = arith.xori %lt3A_53, %lt3A_55 : i1
      %and3A_57 = arith.andi %ne3A_56, %ne3A_52 : i1
      %add3A_58 = arith.addi %rem3A_50, %select_n3A_49 : i32
      %select_n3A_59 = arith.select %and3A_57, %add3A_58, %rem3A_50 : i32
      %mul3A_60 = arith.constant 16 : i32
      %mul3A_61 = arith.muli %select_n3A_59, %mul3A_60 : i32
      %broadcast_in_dim3A = arith.constant 0.000000e+00 : f32
      %broadcast_in_dim3A_62 = vector.broadcast %broadcast_in_dim3A : f32 to vector<16xf32>
      %swap3A = arith.index_cast %select_n3A : i32 to index
      %swap3A_63 = arith.index_cast %mul3A_61 : i32 to index
      %swap3A_64 = tpu.vector_load %arg9[%swap3A, %swap3A_63] {strides = array<i32>} : memref<128x128xf32, #tpu.memory_space<vmem>>, vector<1x16xf32>,
      %swap3A_65 = vector.shape_cast %swap3A_64 : vector<1x16xf32> to vector<16xf32>
      %swap3A_66 = vector.shape_cast %broadcast_in_dim3A_62 : vector<16xf32> to vector<1x16xf32>
      tpu.vector_store %arg9[%swap3A, %swap3A_63], %swap3A_66 {strides = array<i32>} : memref<128x128xf32, #tpu.memory_space<vmem>>, vector<1x16xf32>,
    }
    %scan3A_5 = arith.constant 1024 : i32
    %mul3A_6 = arith.constant 640 : i32
    %mul3A_7 = arith.muli %arg1, %mul3A_6 : i32
    %scan3A_8 = arith.constant 0 : i32
    %scan3A_9 = arith.constant 0 : i32
    %scan3A_10 = arith.constant 5 : i32
    %scan3A_11 = arith.addi %scan3A_9, %scan3A_10 : i32
    %scan3A_12 = arith.constant 1 : i32
    scf.for %scan3A_29 = %scan3A_9 to %scan3A_11 step %scan3A_12  : i32 {
      %mul3A_30 = arith.constant 128 : i32
      %mul3A_31 = arith.muli %scan3A_29, %mul3A_30 : i32
      %add3A_32 = arith.addi %mul3A_7, %mul3A_31 : i32
      "tpu.region"() ({
        %run_scoped3A = tpu.sem_alloc : memref<!tpu.dma_semaphore, #tpu.memory_space<semaphore_mem>>
        %dma_start3A = arith.constant 0 : i32
        %dma_start3A_33 = arith.constant 0 : i32
        %dma_start3A_34 = tpu.memref_slice %arg9[%dma_start3A, %dma_start3A_33] : memref<128x128xf32, #tpu.memory_space<vmem>> -> memref<128x128xf32, #tpu.memory_space<vmem>>
        %dma_start3A_35 = arith.constant 0 : i32
        %dma_start3A_36 = tpu.memref_slice %arg10[%add3A_32, %dma_start3A_35] : memref<10240x128xf32, #tpu.memory_space<vmem_shared>> -> memref<128x128xf32, #tpu.memory_space<vmem_shared>>
        %dma_start3A_37 = arith.constant 0 : i32
        %dma_start3A_38 = tpu.memref_slice %arg10[%add3A_32, %dma_start3A_37] : memref<10240x128xf32, #tpu.memory_space<vmem_shared>> -> memref<128x128xf32, #tpu.memory_space<vmem_shared>>
        %dma_start3A_39 = arith.constant 0 : i32
        %dma_start3A_40 = arith.constant 0 : i32
        %dma_start3A_41 = tpu.memref_slice %arg9[%dma_start3A_39, %dma_start3A_40] : memref<128x128xf32, #tpu.memory_space<vmem>> -> memref<128x128xf32, #tpu.memory_space<vmem>>
        tpu.enqueue_dma source(%dma_start3A_41 : memref<128x128xf32, #tpu.memory_space<vmem>>) target(%dma_start3A_38 : memref<128x128xf32, #tpu.memory_space<vmem_shared>>) target_semaphore(%run_scoped3A : memref<!tpu.dma_semaphore, #tpu.memory_space<semaphore_mem>>)
        %dma_wait3A = arith.constant 0 : i32
        %dma_wait3A_42 = arith.constant 0 : i32
        %dma_wait3A_43 = tpu.memref_slice %arg9[%dma_wait3A, %dma_wait3A_42] : memref<128x128xf32, #tpu.memory_space<vmem>> -> memref<128x128xf32, #tpu.memory_space<vmem>>
        %dma_wait3A_44 = arith.constant 0 : i32
        %dma_wait3A_45 = tpu.memref_slice %arg10[%add3A_32, %dma_wait3A_44] : memref<10240x128xf32, #tpu.memory_space<vmem_shared>> -> memref<128x128xf32, #tpu.memory_space<vmem_shared>>
        %dma_wait3A_46 = arith.constant 0 : i32
        %dma_wait3A_47 = tpu.memref_slice %arg10[%add3A_32, %dma_wait3A_46] : memref<10240x128xf32, #tpu.memory_space<vmem_shared>> -> memref<128x128xf32, #tpu.memory_space<vmem_shared>>
        %dma_wait3A_48 = arith.constant 0 : i32
        %dma_wait3A_49 = arith.constant 0 : i32
        %dma_wait3A_50 = tpu.memref_slice %arg9[%dma_wait3A_48, %dma_wait3A_49] : memref<128x128xf32, #tpu.memory_space<vmem>> -> memref<128x128xf32, #tpu.memory_space<vmem>>
        tpu.wait_dma2 semaphore(%run_scoped3A : memref<!tpu.dma_semaphore, #tpu.memory_space<semaphore_mem>>) src(%dma_wait3A_50 : memref<128x128xf32, #tpu.memory_space<vmem>>) dst(%dma_wait3A_47 : memref<128x128xf32, #tpu.memory_space<vmem_shared>>)
        tpu.yield
      }) : () -> ()
    }
    %scan3A_13 = arith.constant 5 : i32
    %barrier3A = arith.constant 0 : index
    tpu.barrier barrier_id(%barrier3A)
    %mul3A_14 = arith.constant 160 : i32
    %mul3A_15 = arith.muli %add3A, %mul3A_14 : i32
    %scan3A_16 = arith.constant 0 : i32
    %scan3A_17 = arith.constant 0 : i32
    %scan3A_18 = arith.constant 40 : i32
    %scan3A_19 = arith.addi %scan3A_17, %scan3A_18 : i32
    %scan3A_20 = arith.constant 1 : i32
    scf.for %scan3A_29 = %scan3A_17 to %scan3A_19 step %scan3A_20  : i32 {
      %mul3A_30 = arith.constant 4 : i32
      %mul3A_31 = arith.muli %mul3A_30, %scan3A_29 : i32
      %add3A_32 = arith.addi %mul3A_15, %mul3A_31 : i32
      %add3A_33 = arith.constant 0 : i32
      %add3A_34 = arith.addi %add3A_32, %add3A_33 : i32
      %dma_start3A = arith.constant 0 : i32
      %dma_start3A_35 = arith.constant 0 : i32
      %dma_start3A_36 = tpu.memref_slice %arg3[%add3A_34, %dma_start3A, %dma_start3A_35] : memref<5120x2x128xi32, #tpu.memory_space<hbm>> -> memref<1x2x128xi32, #tpu.memory_space<hbm>>
      %dma_start3A_37 = tpu.memref_squeeze %dma_start3A_36 : memref<1x2x128xi32, #tpu.memory_space<hbm>> -> memref<2x128xi32, #tpu.memory_space<hbm>>
      %dma_start3A_38 = arith.constant 0 : i32
      %dma_start3A_39 = arith.constant 0 : i32
      %dma_start3A_40 = tpu.memref_slice %arg3[%add3A_34, %dma_start3A_38, %dma_start3A_39] : memref<5120x2x128xi32, #tpu.memory_space<hbm>> -> memref<1x2x128xi32, #tpu.memory_space<hbm>>
      %dma_start3A_41 = tpu.memref_squeeze %dma_start3A_40 : memref<1x2x128xi32, #tpu.memory_space<hbm>> -> memref<2x128xi32, #tpu.memory_space<hbm>>
      tpu.enqueue_dma source(%dma_start3A_41 : memref<2x128xi32, #tpu.memory_space<hbm>>) target(%arg5 : memref<2x128xi32, #tpu.memory_space<vmem>>) target_semaphore(%arg12 : memref<!tpu.dma_semaphore, #tpu.memory_space<semaphore_mem>>)
      %add3A_42 = arith.constant 1 : i32
      %add3A_43 = arith.addi %add3A_32, %add3A_42 : i32
      %dma_start3A_44 = arith.constant 0 : i32
      %dma_start3A_45 = arith.constant 0 : i32
      %dma_start3A_46 = tpu.memref_slice %arg3[%add3A_43, %dma_start3A_44, %dma_start3A_45] : memref<5120x2x128xi32, #tpu.memory_space<hbm>> -> memref<1x2x128xi32, #tpu.memory_space<hbm>>
      %dma_start3A_47 = tpu.memref_squeeze %dma_start3A_46 : memref<1x2x128xi32, #tpu.memory_space<hbm>> -> memref<2x128xi32, #tpu.memory_space<hbm>>
      %dma_start3A_48 = arith.constant 0 : i32
      %dma_start3A_49 = arith.constant 0 : i32
      %dma_start3A_50 = tpu.memref_slice %arg3[%add3A_43, %dma_start3A_48, %dma_start3A_49] : memref<5120x2x128xi32, #tpu.memory_space<hbm>> -> memref<1x2x128xi32, #tpu.memory_space<hbm>>
      %dma_start3A_51 = tpu.memref_squeeze %dma_start3A_50 : memref<1x2x128xi32, #tpu.memory_space<hbm>> -> memref<2x128xi32, #tpu.memory_space<hbm>>
      tpu.enqueue_dma source(%dma_start3A_51 : memref<2x128xi32, #tpu.memory_space<hbm>>) target(%arg6 : memref<2x128xi32, #tpu.memory_space<vmem>>) target_semaphore(%arg13 : memref<!tpu.dma_semaphore, #tpu.memory_space<semaphore_mem>>)
      %add3A_52 = arith.constant 2 : i32
      %add3A_53 = arith.addi %add3A_32, %add3A_52 : i32
      %dma_start3A_54 = arith.constant 0 : i32
      %dma_start3A_55 = arith.constant 0 : i32
      %dma_start3A_56 = tpu.memref_slice %arg3[%add3A_53, %dma_start3A_54, %dma_start3A_55] : memref<5120x2x128xi32, #tpu.memory_space<hbm>> -> memref<1x2x128xi32, #tpu.memory_space<hbm>>
      %dma_start3A_57 = tpu.memref_squeeze %dma_start3A_56 : memref<1x2x128xi32, #tpu.memory_space<hbm>> -> memref<2x128xi32, #tpu.memory_space<hbm>>
      %dma_start3A_58 = arith.constant 0 : i32
      %dma_start3A_59 = arith.constant 0 : i32
      %dma_start3A_60 = tpu.memref_slice %arg3[%add3A_53, %dma_start3A_58, %dma_start3A_59] : memref<5120x2x128xi32, #tpu.memory_space<hbm>> -> memref<1x2x128xi32, #tpu.memory_space<hbm>>
      %dma_start3A_61 = tpu.memref_squeeze %dma_start3A_60 : memref<1x2x128xi32, #tpu.memory_space<hbm>> -> memref<2x128xi32, #tpu.memory_space<hbm>>
      tpu.enqueue_dma source(%dma_start3A_61 : memref<2x128xi32, #tpu.memory_space<hbm>>) target(%arg7 : memref<2x128xi32, #tpu.memory_space<vmem>>) target_semaphore(%arg14 : memref<!tpu.dma_semaphore, #tpu.memory_space<semaphore_mem>>)
      %add3A_62 = arith.constant 3 : i32
      %add3A_63 = arith.addi %add3A_32, %add3A_62 : i32
      %dma_start3A_64 = arith.constant 0 : i32
      %dma_start3A_65 = arith.constant 0 : i32
      %dma_start3A_66 = tpu.memref_slice %arg3[%add3A_63, %dma_start3A_64, %dma_start3A_65] : memref<5120x2x128xi32, #tpu.memory_space<hbm>> -> memref<1x2x128xi32, #tpu.memory_space<hbm>>
      %dma_start3A_67 = tpu.memref_squeeze %dma_start3A_66 : memref<1x2x128xi32, #tpu.memory_space<hbm>> -> memref<2x128xi32, #tpu.memory_space<hbm>>
      %dma_start3A_68 = arith.constant 0 : i32
      %dma_start3A_69 = arith.constant 0 : i32
      %dma_start3A_70 = tpu.memref_slice %arg3[%add3A_63, %dma_start3A_68, %dma_start3A_69] : memref<5120x2x128xi32, #tpu.memory_space<hbm>> -> memref<1x2x128xi32, #tpu.memory_space<hbm>>
      %dma_start3A_71 = tpu.memref_squeeze %dma_start3A_70 : memref<1x2x128xi32, #tpu.memory_space<hbm>> -> memref<2x128xi32, #tpu.memory_space<hbm>>
      tpu.enqueue_dma source(%dma_start3A_71 : memref<2x128xi32, #tpu.memory_space<hbm>>) target(%arg8 : memref<2x128xi32, #tpu.memory_space<vmem>>) target_semaphore(%arg15 : memref<!tpu.dma_semaphore, #tpu.memory_space<semaphore_mem>>)
      %dma_wait3A = arith.constant 0 : i32
      %dma_wait3A_72 = arith.constant 0 : i32
      %dma_wait3A_73 = tpu.memref_slice %arg3[%add3A_34, %dma_wait3A, %dma_wait3A_72] : memref<5120x2x128xi32, #tpu.memory_space<hbm>> -> memref<1x2x128xi32, #tpu.memory_space<hbm>>
      %dma_wait3A_74 = tpu.memref_squeeze %dma_wait3A_73 : memref<1x2x128xi32, #tpu.memory_space<hbm>> -> memref<2x128xi32, #tpu.memory_space<hbm>>
      %dma_wait3A_75 = arith.constant 0 : i32
      %dma_wait3A_76 = arith.constant 0 : i32
      %dma_wait3A_77 = tpu.memref_slice %arg3[%add3A_34, %dma_wait3A_75, %dma_wait3A_76] : memref<5120x2x128xi32, #tpu.memory_space<hbm>> -> memref<1x2x128xi32, #tpu.memory_space<hbm>>
      %dma_wait3A_78 = tpu.memref_squeeze %dma_wait3A_77 : memref<1x2x128xi32, #tpu.memory_space<hbm>> -> memref<2x128xi32, #tpu.memory_space<hbm>>
      tpu.wait_dma2 semaphore(%arg12 : memref<!tpu.dma_semaphore, #tpu.memory_space<semaphore_mem>>) src(%dma_wait3A_78 : memref<2x128xi32, #tpu.memory_space<hbm>>) dst(%arg5 : memref<2x128xi32, #tpu.memory_space<vmem>>)
      %dma_start3A_79 = arith.constant 0 : i32
      %dma_start3A_80 = arith.constant 0 : i32
      %dma_start3A_81 = tpu.memref_slice %arg5[%dma_start3A_79, %dma_start3A_80] : memref<2x128xi32, #tpu.memory_space<vmem>> -> memref<1x128xi32, #tpu.memory_space<vmem>>
      %dma_start3A_82 = tpu.memref_squeeze %dma_start3A_81 : memref<1x128xi32, #tpu.memory_space<vmem>> -> memref<128xi32, #tpu.memory_space<vmem>>
      %dma_start3A_83 = arith.constant 0 : i32
      %dma_start3A_84 = arith.constant 0 : i32
      %dma_start3A_85 = tpu.memref_slice %arg2[%dma_start3A_83, %dma_start3A_84] : memref<35600x128xf32, #tpu.memory_space<hbm>> -> memref<35600x128xf32, #tpu.memory_space<hbm>>
      tpu.enqueue_indirect_dma source(%dma_start3A_85 : memref<35600x128xf32, #tpu.memory_space<hbm>>) target(%arg9 : memref<128x128xf32, #tpu.memory_space<vmem>>) offsets(%dma_start3A_82 : memref<128xi32, #tpu.memory_space<vmem>>) semaphore(%arg11 : memref<!tpu.dma_semaphore, #tpu.memory_space<semaphore_mem>>)
      %dma_wait3A_86 = arith.constant 0 : i32
      %dma_wait3A_87 = arith.constant 0 : i32
      %dma_wait3A_88 = tpu.memref_slice %arg5[%dma_wait3A_86, %dma_wait3A_87] : memref<2x128xi32, #tpu.memory_space<vmem>> -> memref<1x128xi32, #tpu.memory_space<vmem>>
      %dma_wait3A_89 = tpu.memref_squeeze %dma_wait3A_88 : memref<1x128xi32, #tpu.memory_space<vmem>> -> memref<128xi32, #tpu.memory_space<vmem>>
      %dma_wait3A_90 = arith.constant 0 : i32
      %dma_wait3A_91 = arith.constant 0 : i32
      %dma_wait3A_92 = tpu.memref_slice %arg2[%dma_wait3A_90, %dma_wait3A_91] : memref<35600x128xf32, #tpu.memory_space<hbm>> -> memref<35600x128xf32, #tpu.memory_space<hbm>>
      tpu.wait_indirect_dma semaphore(%arg11 : memref<!tpu.dma_semaphore, #tpu.memory_space<semaphore_mem>>) src(%dma_wait3A_92 : memref<35600x128xf32, #tpu.memory_space<hbm>>) dst(%arg9 : memref<128x128xf32, #tpu.memory_space<vmem>>)
      %run_scoped3A = arith.constant 1 : i32
      "tpu.region"() ({
        %run_scoped3A_162 = tpu.sem_alloc : memref<!tpu.dma_semaphore, #tpu.memory_space<semaphore_mem>>
        %dma_start3A_163 = arith.constant 0 : i32
        %dma_start3A_164 = tpu.memref_slice %arg5[%run_scoped3A, %dma_start3A_163] : memref<2x128xi32, #tpu.memory_space<vmem>> -> memref<1x128xi32, #tpu.memory_space<vmem>>
        %dma_start3A_165 = tpu.memref_squeeze %dma_start3A_164 : memref<1x128xi32, #tpu.memory_space<vmem>> -> memref<128xi32, #tpu.memory_space<vmem>>
        %dma_start3A_166 = arith.constant 0 : i32
        %dma_start3A_167 = arith.constant 0 : i32
        %dma_start3A_168 = tpu.memref_slice %arg10[%dma_start3A_166, %dma_start3A_167] : memref<10240x128xf32, #tpu.memory_space<vmem_shared>> -> memref<10240x128xf32, #tpu.memory_space<vmem_shared>>
        tpu.enqueue_indirect_dma source(%arg9 : memref<128x128xf32, #tpu.memory_space<vmem>>) target(%dma_start3A_168 : memref<10240x128xf32, #tpu.memory_space<vmem_shared>>) offsets(%dma_start3A_165 : memref<128xi32, #tpu.memory_space<vmem>>) semaphore(%run_scoped3A_162 : memref<!tpu.dma_semaphore, #tpu.memory_space<semaphore_mem>>) {add = true}
        %dma_wait3A_169 = arith.constant 0 : i32
        %dma_wait3A_170 = tpu.memref_slice %arg5[%run_scoped3A, %dma_wait3A_169] : memref<2x128xi32, #tpu.memory_space<vmem>> -> memref<1x128xi32, #tpu.memory_space<vmem>>
        %dma_wait3A_171 = tpu.memref_squeeze %dma_wait3A_170 : memref<1x128xi32, #tpu.memory_space<vmem>> -> memref<128xi32, #tpu.memory_space<vmem>>
        %dma_wait3A_172 = arith.constant 0 : i32
        %dma_wait3A_173 = arith.constant 0 : i32
        %dma_wait3A_174 = tpu.memref_slice %arg10[%dma_wait3A_172, %dma_wait3A_173] : memref<10240x128xf32, #tpu.memory_space<vmem_shared>> -> memref<10240x128xf32, #tpu.memory_space<vmem_shared>>
        tpu.wait_indirect_dma semaphore(%run_scoped3A_162 : memref<!tpu.dma_semaphore, #tpu.memory_space<semaphore_mem>>) src(%arg9 : memref<128x128xf32, #tpu.memory_space<vmem>>) dst(%dma_wait3A_174 : memref<10240x128xf32, #tpu.memory_space<vmem_shared>>)
        tpu.yield
      }) : () -> ()
      %dma_wait3A_93 = arith.constant 0 : i32
      %dma_wait3A_94 = arith.constant 0 : i32
      %dma_wait3A_95 = tpu.memref_slice %arg3[%add3A_43, %dma_wait3A_93, %dma_wait3A_94] : memref<5120x2x128xi32, #tpu.memory_space<hbm>> -> memref<1x2x128xi32, #tpu.memory_space<hbm>>
      %dma_wait3A_96 = tpu.memref_squeeze %dma_wait3A_95 : memref<1x2x128xi32, #tpu.memory_space<hbm>> -> memref<2x128xi32, #tpu.memory_space<hbm>>
      %dma_wait3A_97 = arith.constant 0 : i32
      %dma_wait3A_98 = arith.constant 0 : i32
      %dma_wait3A_99 = tpu.memref_slice %arg3[%add3A_43, %dma_wait3A_97, %dma_wait3A_98] : memref<5120x2x128xi32, #tpu.memory_space<hbm>> -> memref<1x2x128xi32, #tpu.memory_space<hbm>>
      %dma_wait3A_100 = tpu.memref_squeeze %dma_wait3A_99 : memref<1x2x128xi32, #tpu.memory_space<hbm>> -> memref<2x128xi32, #tpu.memory_space<hbm>>
      tpu.wait_dma2 semaphore(%arg13 : memref<!tpu.dma_semaphore, #tpu.memory_space<semaphore_mem>>) src(%dma_wait3A_100 : memref<2x128xi32, #tpu.memory_space<hbm>>) dst(%arg6 : memref<2x128xi32, #tpu.memory_space<vmem>>)
      %dma_start3A_101 = arith.constant 0 : i32
      %dma_start3A_102 = arith.constant 0 : i32
      %dma_start3A_103 = tpu.memref_slice %arg6[%dma_start3A_101, %dma_start3A_102] : memref<2x128xi32, #tpu.memory_space<vmem>> -> memref<1x128xi32, #tpu.memory_space<vmem>>
      %dma_start3A_104 = tpu.memref_squeeze %dma_start3A_103 : memref<1x128xi32, #tpu.memory_space<vmem>> -> memref<128xi32, #tpu.memory_space<vmem>>
      %dma_start3A_105 = arith.constant 0 : i32
      %dma_start3A_106 = arith.constant 0 : i32
      %dma_start3A_107 = tpu.memref_slice %arg2[%dma_start3A_105, %dma_start3A_106] : memref<35600x128xf32, #tpu.memory_space<hbm>> -> memref<35600x128xf32, #tpu.memory_space<hbm>>
      tpu.enqueue_indirect_dma source(%dma_start3A_107 : memref<35600x128xf32, #tpu.memory_space<hbm>>) target(%arg9 : memref<128x128xf32, #tpu.memory_space<vmem>>) offsets(%dma_start3A_104 : memref<128xi32, #tpu.memory_space<vmem>>) semaphore(%arg11 : memref<!tpu.dma_semaphore, #tpu.memory_space<semaphore_mem>>)
      %dma_wait3A_108 = arith.constant 0 : i32
      %dma_wait3A_109 = arith.constant 0 : i32
      %dma_wait3A_110 = tpu.memref_slice %arg6[%dma_wait3A_108, %dma_wait3A_109] : memref<2x128xi32, #tpu.memory_space<vmem>> -> memref<1x128xi32, #tpu.memory_space<vmem>>
      %dma_wait3A_111 = tpu.memref_squeeze %dma_wait3A_110 : memref<1x128xi32, #tpu.memory_space<vmem>> -> memref<128xi32, #tpu.memory_space<vmem>>
      %dma_wait3A_112 = arith.constant 0 : i32
      %dma_wait3A_113 = arith.constant 0 : i32
      %dma_wait3A_114 = tpu.memref_slice %arg2[%dma_wait3A_112, %dma_wait3A_113] : memref<35600x128xf32, #tpu.memory_space<hbm>> -> memref<35600x128xf32, #tpu.memory_space<hbm>>
      tpu.wait_indirect_dma semaphore(%arg11 : memref<!tpu.dma_semaphore, #tpu.memory_space<semaphore_mem>>) src(%dma_wait3A_114 : memref<35600x128xf32, #tpu.memory_space<hbm>>) dst(%arg9 : memref<128x128xf32, #tpu.memory_space<vmem>>)
      %run_scoped3A_115 = arith.constant 1 : i32
      "tpu.region"() ({
        %run_scoped3A_162 = tpu.sem_alloc : memref<!tpu.dma_semaphore, #tpu.memory_space<semaphore_mem>>
        %dma_start3A_163 = arith.constant 0 : i32
        %dma_start3A_164 = tpu.memref_slice %arg6[%run_scoped3A_115, %dma_start3A_163] : memref<2x128xi32, #tpu.memory_space<vmem>> -> memref<1x128xi32, #tpu.memory_space<vmem>>
        %dma_start3A_165 = tpu.memref_squeeze %dma_start3A_164 : memref<1x128xi32, #tpu.memory_space<vmem>> -> memref<128xi32, #tpu.memory_space<vmem>>
        %dma_start3A_166 = arith.constant 0 : i32
        %dma_start3A_167 = arith.constant 0 : i32
        %dma_start3A_168 = tpu.memref_slice %arg10[%dma_start3A_166, %dma_start3A_167] : memref<10240x128xf32, #tpu.memory_space<vmem_shared>> -> memref<10240x128xf32, #tpu.memory_space<vmem_shared>>
        tpu.enqueue_indirect_dma source(%arg9 : memref<128x128xf32, #tpu.memory_space<vmem>>) target(%dma_start3A_168 : memref<10240x128xf32, #tpu.memory_space<vmem_shared>>) offsets(%dma_start3A_165 : memref<128xi32, #tpu.memory_space<vmem>>) semaphore(%run_scoped3A_162 : memref<!tpu.dma_semaphore, #tpu.memory_space<semaphore_mem>>) {add = true}
        %dma_wait3A_169 = arith.constant 0 : i32
        %dma_wait3A_170 = tpu.memref_slice %arg6[%run_scoped3A_115, %dma_wait3A_169] : memref<2x128xi32, #tpu.memory_space<vmem>> -> memref<1x128xi32, #tpu.memory_space<vmem>>
        %dma_wait3A_171 = tpu.memref_squeeze %dma_wait3A_170 : memref<1x128xi32, #tpu.memory_space<vmem>> -> memref<128xi32, #tpu.memory_space<vmem>>
        %dma_wait3A_172 = arith.constant 0 : i32
        %dma_wait3A_173 = arith.constant 0 : i32
        %dma_wait3A_174 = tpu.memref_slice %arg10[%dma_wait3A_172, %dma_wait3A_173] : memref<10240x128xf32, #tpu.memory_space<vmem_shared>> -> memref<10240x128xf32, #tpu.memory_space<vmem_shared>>
        tpu.wait_indirect_dma semaphore(%run_scoped3A_162 : memref<!tpu.dma_semaphore, #tpu.memory_space<semaphore_mem>>) src(%arg9 : memref<128x128xf32, #tpu.memory_space<vmem>>) dst(%dma_wait3A_174 : memref<10240x128xf32, #tpu.memory_space<vmem_shared>>)
        tpu.yield
      }) : () -> ()
      %dma_wait3A_116 = arith.constant 0 : i32
      %dma_wait3A_117 = arith.constant 0 : i32
      %dma_wait3A_118 = tpu.memref_slice %arg3[%add3A_53, %dma_wait3A_116, %dma_wait3A_117] : memref<5120x2x128xi32, #tpu.memory_space<hbm>> -> memref<1x2x128xi32, #tpu.memory_space<hbm>>
      %dma_wait3A_119 = tpu.memref_squeeze %dma_wait3A_118 : memref<1x2x128xi32, #tpu.memory_space<hbm>> -> memref<2x128xi32, #tpu.memory_space<hbm>>
      %dma_wait3A_120 = arith.constant 0 : i32
      %dma_wait3A_121 = arith.constant 0 : i32
      %dma_wait3A_122 = tpu.memref_slice %arg3[%add3A_53, %dma_wait3A_120, %dma_wait3A_121] : memref<5120x2x128xi32, #tpu.memory_space<hbm>> -> memref<1x2x128xi32, #tpu.memory_space<hbm>>
      %dma_wait3A_123 = tpu.memref_squeeze %dma_wait3A_122 : memref<1x2x128xi32, #tpu.memory_space<hbm>> -> memref<2x128xi32, #tpu.memory_space<hbm>>
      tpu.wait_dma2 semaphore(%arg14 : memref<!tpu.dma_semaphore, #tpu.memory_space<semaphore_mem>>) src(%dma_wait3A_123 : memref<2x128xi32, #tpu.memory_space<hbm>>) dst(%arg7 : memref<2x128xi32, #tpu.memory_space<vmem>>)
      %dma_start3A_124 = arith.constant 0 : i32
      %dma_start3A_125 = arith.constant 0 : i32
      %dma_start3A_126 = tpu.memref_slice %arg7[%dma_start3A_124, %dma_start3A_125] : memref<2x128xi32, #tpu.memory_space<vmem>> -> memref<1x128xi32, #tpu.memory_space<vmem>>
      %dma_start3A_127 = tpu.memref_squeeze %dma_start3A_126 : memref<1x128xi32, #tpu.memory_space<vmem>> -> memref<128xi32, #tpu.memory_space<vmem>>
      %dma_start3A_128 = arith.constant 0 : i32
      %dma_start3A_129 = arith.constant 0 : i32
      %dma_start3A_130 = tpu.memref_slice %arg2[%dma_start3A_128, %dma_start3A_129] : memref<35600x128xf32, #tpu.memory_space<hbm>> -> memref<35600x128xf32, #tpu.memory_space<hbm>>
      tpu.enqueue_indirect_dma source(%dma_start3A_130 : memref<35600x128xf32, #tpu.memory_space<hbm>>) target(%arg9 : memref<128x128xf32, #tpu.memory_space<vmem>>) offsets(%dma_start3A_127 : memref<128xi32, #tpu.memory_space<vmem>>) semaphore(%arg11 : memref<!tpu.dma_semaphore, #tpu.memory_space<semaphore_mem>>)
      %dma_wait3A_131 = arith.constant 0 : i32
      %dma_wait3A_132 = arith.constant 0 : i32
      %dma_wait3A_133 = tpu.memref_slice %arg7[%dma_wait3A_131, %dma_wait3A_132] : memref<2x128xi32, #tpu.memory_space<vmem>> -> memref<1x128xi32, #tpu.memory_space<vmem>>
      %dma_wait3A_134 = tpu.memref_squeeze %dma_wait3A_133 : memref<1x128xi32, #tpu.memory_space<vmem>> -> memref<128xi32, #tpu.memory_space<vmem>>
      %dma_wait3A_135 = arith.constant 0 : i32
      %dma_wait3A_136 = arith.constant 0 : i32
      %dma_wait3A_137 = tpu.memref_slice %arg2[%dma_wait3A_135, %dma_wait3A_136] : memref<35600x128xf32, #tpu.memory_space<hbm>> -> memref<35600x128xf32, #tpu.memory_space<hbm>>
      tpu.wait_indirect_dma semaphore(%arg11 : memref<!tpu.dma_semaphore, #tpu.memory_space<semaphore_mem>>) src(%dma_wait3A_137 : memref<35600x128xf32, #tpu.memory_space<hbm>>) dst(%arg9 : memref<128x128xf32, #tpu.memory_space<vmem>>)
      %run_scoped3A_138 = arith.constant 1 : i32
      "tpu.region"() ({
        %run_scoped3A_162 = tpu.sem_alloc : memref<!tpu.dma_semaphore, #tpu.memory_space<semaphore_mem>>
        %dma_start3A_163 = arith.constant 0 : i32
        %dma_start3A_164 = tpu.memref_slice %arg7[%run_scoped3A_138, %dma_start3A_163] : memref<2x128xi32, #tpu.memory_space<vmem>> -> memref<1x128xi32, #tpu.memory_space<vmem>>
        %dma_start3A_165 = tpu.memref_squeeze %dma_start3A_164 : memref<1x128xi32, #tpu.memory_space<vmem>> -> memref<128xi32, #tpu.memory_space<vmem>>
        %dma_start3A_166 = arith.constant 0 : i32
        %dma_start3A_167 = arith.constant 0 : i32
        %dma_start3A_168 = tpu.memref_slice %arg10[%dma_start3A_166, %dma_start3A_167] : memref<10240x128xf32, #tpu.memory_space<vmem_shared>> -> memref<10240x128xf32, #tpu.memory_space<vmem_shared>>
        tpu.enqueue_indirect_dma source(%arg9 : memref<128x128xf32, #tpu.memory_space<vmem>>) target(%dma_start3A_168 : memref<10240x128xf32, #tpu.memory_space<vmem_shared>>) offsets(%dma_start3A_165 : memref<128xi32, #tpu.memory_space<vmem>>) semaphore(%run_scoped3A_162 : memref<!tpu.dma_semaphore, #tpu.memory_space<semaphore_mem>>) {add = true}
        %dma_wait3A_169 = arith.constant 0 : i32
        %dma_wait3A_170 = tpu.memref_slice %arg7[%run_scoped3A_138, %dma_wait3A_169] : memref<2x128xi32, #tpu.memory_space<vmem>> -> memref<1x128xi32, #tpu.memory_space<vmem>>
        %dma_wait3A_171 = tpu.memref_squeeze %dma_wait3A_170 : memref<1x128xi32, #tpu.memory_space<vmem>> -> memref<128xi32, #tpu.memory_space<vmem>>
        %dma_wait3A_172 = arith.constant 0 : i32
        %dma_wait3A_173 = arith.constant 0 : i32
        %dma_wait3A_174 = tpu.memref_slice %arg10[%dma_wait3A_172, %dma_wait3A_173] : memref<10240x128xf32, #tpu.memory_space<vmem_shared>> -> memref<10240x128xf32, #tpu.memory_space<vmem_shared>>
        tpu.wait_indirect_dma semaphore(%run_scoped3A_162 : memref<!tpu.dma_semaphore, #tpu.memory_space<semaphore_mem>>) src(%arg9 : memref<128x128xf32, #tpu.memory_space<vmem>>) dst(%dma_wait3A_174 : memref<10240x128xf32, #tpu.memory_space<vmem_shared>>)
        tpu.yield
      }) : () -> ()
      %dma_wait3A_139 = arith.constant 0 : i32
      %dma_wait3A_140 = arith.constant 0 : i32
      %dma_wait3A_141 = tpu.memref_slice %arg3[%add3A_63, %dma_wait3A_139, %dma_wait3A_140] : memref<5120x2x128xi32, #tpu.memory_space<hbm>> -> memref<1x2x128xi32, #tpu.memory_space<hbm>>
      %dma_wait3A_142 = tpu.memref_squeeze %dma_wait3A_141 : memref<1x2x128xi32, #tpu.memory_space<hbm>> -> memref<2x128xi32, #tpu.memory_space<hbm>>
      %dma_wait3A_143 = arith.constant 0 : i32
      %dma_wait3A_144 = arith.constant 0 : i32
      %dma_wait3A_145 = tpu.memref_slice %arg3[%add3A_63, %dma_wait3A_143, %dma_wait3A_144] : memref<5120x2x128xi32, #tpu.memory_space<hbm>> -> memref<1x2x128xi32, #tpu.memory_space<hbm>>
      %dma_wait3A_146 = tpu.memref_squeeze %dma_wait3A_145 : memref<1x2x128xi32, #tpu.memory_space<hbm>> -> memref<2x128xi32, #tpu.memory_space<hbm>>
      tpu.wait_dma2 semaphore(%arg15 : memref<!tpu.dma_semaphore, #tpu.memory_space<semaphore_mem>>) src(%dma_wait3A_146 : memref<2x128xi32, #tpu.memory_space<hbm>>) dst(%arg8 : memref<2x128xi32, #tpu.memory_space<vmem>>)
      %dma_start3A_147 = arith.constant 0 : i32
      %dma_start3A_148 = arith.constant 0 : i32
      %dma_start3A_149 = tpu.memref_slice %arg8[%dma_start3A_147, %dma_start3A_148] : memref<2x128xi32, #tpu.memory_space<vmem>> -> memref<1x128xi32, #tpu.memory_space<vmem>>
      %dma_start3A_150 = tpu.memref_squeeze %dma_start3A_149 : memref<1x128xi32, #tpu.memory_space<vmem>> -> memref<128xi32, #tpu.memory_space<vmem>>
      %dma_start3A_151 = arith.constant 0 : i32
      %dma_start3A_152 = arith.constant 0 : i32
      %dma_start3A_153 = tpu.memref_slice %arg2[%dma_start3A_151, %dma_start3A_152] : memref<35600x128xf32, #tpu.memory_space<hbm>> -> memref<35600x128xf32, #tpu.memory_space<hbm>>
      tpu.enqueue_indirect_dma source(%dma_start3A_153 : memref<35600x128xf32, #tpu.memory_space<hbm>>) target(%arg9 : memref<128x128xf32, #tpu.memory_space<vmem>>) offsets(%dma_start3A_150 : memref<128xi32, #tpu.memory_space<vmem>>) semaphore(%arg11 : memref<!tpu.dma_semaphore, #tpu.memory_space<semaphore_mem>>)
      %dma_wait3A_154 = arith.constant 0 : i32
      %dma_wait3A_155 = arith.constant 0 : i32
      %dma_wait3A_156 = tpu.memref_slice %arg8[%dma_wait3A_154, %dma_wait3A_155] : memref<2x128xi32, #tpu.memory_space<vmem>> -> memref<1x128xi32, #tpu.memory_space<vmem>>
      %dma_wait3A_157 = tpu.memref_squeeze %dma_wait3A_156 : memref<1x128xi32, #tpu.memory_space<vmem>> -> memref<128xi32, #tpu.memory_space<vmem>>
      %dma_wait3A_158 = arith.constant 0 : i32
      %dma_wait3A_159 = arith.constant 0 : i32
      %dma_wait3A_160 = tpu.memref_slice %arg2[%dma_wait3A_158, %dma_wait3A_159] : memref<35600x128xf32, #tpu.memory_space<hbm>> -> memref<35600x128xf32, #tpu.memory_space<hbm>>
      tpu.wait_indirect_dma semaphore(%arg11 : memref<!tpu.dma_semaphore, #tpu.memory_space<semaphore_mem>>) src(%dma_wait3A_160 : memref<35600x128xf32, #tpu.memory_space<hbm>>) dst(%arg9 : memref<128x128xf32, #tpu.memory_space<vmem>>)
      %run_scoped3A_161 = arith.constant 1 : i32
      "tpu.region"() ({
        %run_scoped3A_162 = tpu.sem_alloc : memref<!tpu.dma_semaphore, #tpu.memory_space<semaphore_mem>>
        %dma_start3A_163 = arith.constant 0 : i32
        %dma_start3A_164 = tpu.memref_slice %arg8[%run_scoped3A_161, %dma_start3A_163] : memref<2x128xi32, #tpu.memory_space<vmem>> -> memref<1x128xi32, #tpu.memory_space<vmem>>
        %dma_start3A_165 = tpu.memref_squeeze %dma_start3A_164 : memref<1x128xi32, #tpu.memory_space<vmem>> -> memref<128xi32, #tpu.memory_space<vmem>>
        %dma_start3A_166 = arith.constant 0 : i32
        %dma_start3A_167 = arith.constant 0 : i32
        %dma_start3A_168 = tpu.memref_slice %arg10[%dma_start3A_166, %dma_start3A_167] : memref<10240x128xf32, #tpu.memory_space<vmem_shared>> -> memref<10240x128xf32, #tpu.memory_space<vmem_shared>>
        tpu.enqueue_indirect_dma source(%arg9 : memref<128x128xf32, #tpu.memory_space<vmem>>) target(%dma_start3A_168 : memref<10240x128xf32, #tpu.memory_space<vmem_shared>>) offsets(%dma_start3A_165 : memref<128xi32, #tpu.memory_space<vmem>>) semaphore(%run_scoped3A_162 : memref<!tpu.dma_semaphore, #tpu.memory_space<semaphore_mem>>) {add = true}
        %dma_wait3A_169 = arith.constant 0 : i32
        %dma_wait3A_170 = tpu.memref_slice %arg8[%run_scoped3A_161, %dma_wait3A_169] : memref<2x128xi32, #tpu.memory_space<vmem>> -> memref<1x128xi32, #tpu.memory_space<vmem>>
        %dma_wait3A_171 = tpu.memref_squeeze %dma_wait3A_170 : memref<1x128xi32, #tpu.memory_space<vmem>> -> memref<128xi32, #tpu.memory_space<vmem>>
        %dma_wait3A_172 = arith.constant 0 : i32
        %dma_wait3A_173 = arith.constant 0 : i32
        %dma_wait3A_174 = tpu.memref_slice %arg10[%dma_wait3A_172, %dma_wait3A_173] : memref<10240x128xf32, #tpu.memory_space<vmem_shared>> -> memref<10240x128xf32, #tpu.memory_space<vmem_shared>>
        tpu.wait_indirect_dma semaphore(%run_scoped3A_162 : memref<!tpu.dma_semaphore, #tpu.memory_space<semaphore_mem>>) src(%arg9 : memref<128x128xf32, #tpu.memory_space<vmem>>) dst(%dma_wait3A_174 : memref<10240x128xf32, #tpu.memory_space<vmem_shared>>)
        tpu.yield
      }) : () -> ()
    }
    %scan3A_21 = arith.constant 40 : i32
    %barrier3A_22 = arith.constant 0 : index
    tpu.barrier barrier_id(%barrier3A_22)
    %scan3A_23 = arith.constant 0 : i32
    %scan3A_24 = arith.constant 0 : i32
    %scan3A_25 = arith.constant 5 : i32
    %scan3A_26 = arith.addi %scan3A_24, %scan3A_25 : i32
    %scan3A_27 = arith.constant 1 : i32
    scf.for %scan3A_29 = %scan3A_24 to %scan3A_26 step %scan3A_27  : i32 {
      %mul3A_30 = arith.constant 128 : i32
      %mul3A_31 = arith.muli %scan3A_29, %mul3A_30 : i32
      %add3A_32 = arith.addi %mul3A_7, %mul3A_31 : i32
      "tpu.region"() ({
        %run_scoped3A = tpu.sem_alloc : memref<!tpu.dma_semaphore, #tpu.memory_space<semaphore_mem>>
        %dma_start3A = arith.constant 0 : i32
        %dma_start3A_36 = arith.constant 0 : i32
        %dma_start3A_37 = tpu.memref_slice %arg9[%dma_start3A, %dma_start3A_36] : memref<128x128xf32, #tpu.memory_space<vmem>> -> memref<128x128xf32, #tpu.memory_space<vmem>>
        %dma_start3A_38 = arith.constant 0 : i32
        %dma_start3A_39 = tpu.memref_slice %arg10[%add3A_32, %dma_start3A_38] : memref<10240x128xf32, #tpu.memory_space<vmem_shared>> -> memref<128x128xf32, #tpu.memory_space<vmem_shared>>
        %dma_start3A_40 = arith.constant 0 : i32
        %dma_start3A_41 = arith.constant 0 : i32
        %dma_start3A_42 = tpu.memref_slice %arg9[%dma_start3A_40, %dma_start3A_41] : memref<128x128xf32, #tpu.memory_space<vmem>> -> memref<128x128xf32, #tpu.memory_space<vmem>>
        %dma_start3A_43 = arith.constant 0 : i32
        %dma_start3A_44 = tpu.memref_slice %arg10[%add3A_32, %dma_start3A_43] : memref<10240x128xf32, #tpu.memory_space<vmem_shared>> -> memref<128x128xf32, #tpu.memory_space<vmem_shared>>
        tpu.enqueue_dma source(%dma_start3A_44 : memref<128x128xf32, #tpu.memory_space<vmem_shared>>) target(%dma_start3A_42 : memref<128x128xf32, #tpu.memory_space<vmem>>) target_semaphore(%run_scoped3A : memref<!tpu.dma_semaphore, #tpu.memory_space<semaphore_mem>>)
        %dma_wait3A = arith.constant 0 : i32
        %dma_wait3A_45 = arith.constant 0 : i32
        %dma_wait3A_46 = tpu.memref_slice %arg9[%dma_wait3A, %dma_wait3A_45] : memref<128x128xf32, #tpu.memory_space<vmem>> -> memref<128x128xf32, #tpu.memory_space<vmem>>
        %dma_wait3A_47 = arith.constant 0 : i32
        %dma_wait3A_48 = tpu.memref_slice %arg10[%add3A_32, %dma_wait3A_47] : memref<10240x128xf32, #tpu.memory_space<vmem_shared>> -> memref<128x128xf32, #tpu.memory_space<vmem_shared>>
        %dma_wait3A_49 = arith.constant 0 : i32
        %dma_wait3A_50 = arith.constant 0 : i32
        %dma_wait3A_51 = tpu.memref_slice %arg9[%dma_wait3A_49, %dma_wait3A_50] : memref<128x128xf32, #tpu.memory_space<vmem>> -> memref<128x128xf32, #tpu.memory_space<vmem>>
        %dma_wait3A_52 = arith.constant 0 : i32
        %dma_wait3A_53 = tpu.memref_slice %arg10[%add3A_32, %dma_wait3A_52] : memref<10240x128xf32, #tpu.memory_space<vmem_shared>> -> memref<128x128xf32, #tpu.memory_space<vmem_shared>>
        tpu.wait_dma2 semaphore(%run_scoped3A : memref<!tpu.dma_semaphore, #tpu.memory_space<semaphore_mem>>) src(%dma_wait3A_53 : memref<128x128xf32, #tpu.memory_space<vmem_shared>>) dst(%dma_wait3A_51 : memref<128x128xf32, #tpu.memory_space<vmem>>)
        tpu.yield
      }) : () -> ()
      %mul3A_33 = arith.constant 128 : i32
      %mul3A_34 = arith.muli %scan3A_29, %mul3A_33 : i32
      %add3A_35 = arith.addi %mul3A_7, %mul3A_34 : i32
      "tpu.region"() ({
        %run_scoped3A = tpu.sem_alloc : memref<!tpu.dma_semaphore, #tpu.memory_space<semaphore_mem>>
        %dma_start3A = arith.constant 0 : i32
        %dma_start3A_36 = arith.constant 0 : i32
        %dma_start3A_37 = tpu.memref_slice %arg9[%dma_start3A, %dma_start3A_36] : memref<128x128xf32, #tpu.memory_space<vmem>> -> memref<128x128xf32, #tpu.memory_space<vmem>>
        %dma_start3A_38 = arith.constant 0 : i32
        %dma_start3A_39 = tpu.memref_slice %arg4[%arg0, %add3A_35, %dma_start3A_38] : memref<2x10240x128xf32, #tpu.memory_space<hbm>> -> memref<1x128x128xf32, #tpu.memory_space<hbm>>
        %dma_start3A_40 = tpu.memref_squeeze %dma_start3A_39 : memref<1x128x128xf32, #tpu.memory_space<hbm>> -> memref<128x128xf32, #tpu.memory_space<hbm>>
        %dma_start3A_41 = arith.constant 0 : i32
        %dma_start3A_42 = tpu.memref_slice %arg4[%arg0, %add3A_35, %dma_start3A_41] : memref<2x10240x128xf32, #tpu.memory_space<hbm>> -> memref<1x128x128xf32, #tpu.memory_space<hbm>>
        %dma_start3A_43 = tpu.memref_squeeze %dma_start3A_42 : memref<1x128x128xf32, #tpu.memory_space<hbm>> -> memref<128x128xf32, #tpu.memory_space<hbm>>
        %dma_start3A_44 = arith.constant 0 : i32
        %dma_start3A_45 = arith.constant 0 : i32
        %dma_start3A_46 = tpu.memref_slice %arg9[%dma_start3A_44, %dma_start3A_45] : memref<128x128xf32, #tpu.memory_space<vmem>> -> memref<128x128xf32, #tpu.memory_space<vmem>>
        tpu.enqueue_dma source(%dma_start3A_46 : memref<128x128xf32, #tpu.memory_space<vmem>>) target(%dma_start3A_43 : memref<128x128xf32, #tpu.memory_space<hbm>>) target_semaphore(%run_scoped3A : memref<!tpu.dma_semaphore, #tpu.memory_space<semaphore_mem>>)
        %dma_wait3A = arith.constant 0 : i32
        %dma_wait3A_47 = arith.constant 0 : i32
        %dma_wait3A_48 = tpu.memref_slice %arg9[%dma_wait3A, %dma_wait3A_47] : memref<128x128xf32, #tpu.memory_space<vmem>> -> memref<128x128xf32, #tpu.memory_space<vmem>>
        %dma_wait3A_49 = arith.constant 0 : i32
        %dma_wait3A_50 = tpu.memref_slice %arg4[%arg0, %add3A_35, %dma_wait3A_49] : memref<2x10240x128xf32, #tpu.memory_space<hbm>> -> memref<1x128x128xf32, #tpu.memory_space<hbm>>
        %dma_wait3A_51 = tpu.memref_squeeze %dma_wait3A_50 : memref<1x128x128xf32, #tpu.memory_space<hbm>> -> memref<128x128xf32, #tpu.memory_space<hbm>>
        %dma_wait3A_52 = arith.constant 0 : i32
        %dma_wait3A_53 = tpu.memref_slice %arg4[%arg0, %add3A_35, %dma_wait3A_52] : memref<2x10240x128xf32, #tpu.memory_space<hbm>> -> memref<1x128x128xf32, #tpu.memory_space<hbm>>
        %dma_wait3A_54 = tpu.memref_squeeze %dma_wait3A_53 : memref<1x128x128xf32, #tpu.memory_space<hbm>> -> memref<128x128xf32, #tpu.memory_space<hbm>>
        %dma_wait3A_55 = arith.constant 0 : i32
        %dma_wait3A_56 = arith.constant 0 : i32
        %dma_wait3A_57 = tpu.memref_slice %arg9[%dma_wait3A_55, %dma_wait3A_56] : memref<128x128xf32, #tpu.memory_space<vmem>> -> memref<128x128xf32, #tpu.memory_space<vmem>>
        tpu.wait_dma2 semaphore(%run_scoped3A : memref<!tpu.dma_semaphore, #tpu.memory_space<semaphore_mem>>) src(%dma_wait3A_57 : memref<128x128xf32, #tpu.memory_space<vmem>>) dst(%dma_wait3A_54 : memref<128x128xf32, #tpu.memory_space<hbm>>)
        tpu.yield
      }) : () -> ()
    }
    %scan3A_28 = arith.constant 5 : i32
    return
  }
}

#map = affine_map<(d0, d1) -> (0, 0)>
#map1 = affine_map<(d0, d1) -> (0, 0, 0)>
module attributes {stable_mosaic.version = 14 : i64} {
  func.func @_sc_scatter(%arg0: i32, %arg1: i32, %arg2: memref<10000x128xf32, #tpu.memory_space<hbm>>, %arg3: memref<2560x2x128xi32, #tpu.memory_space<hbm>>, %arg4: memref<2x10240x128xf32, #tpu.memory_space<hbm>>, %arg5: memref<2x128xi32, #tpu.memory_space<vmem>>, %arg6: memref<2x128xi32, #tpu.memory_space<vmem>>, %arg7: memref<2x128xi32, #tpu.memory_space<vmem>>, %arg8: memref<2x128xi32, #tpu.memory_space<vmem>>, %arg9: memref<128x128xf32, #tpu.memory_space<vmem>>, %arg10: memref<10240x128xf32, #tpu.memory_space<vmem_shared>>, %arg11: memref<!tpu.dma_semaphore, #tpu.memory_space<semaphore_mem>>, %arg12: memref<!tpu.dma_semaphore, #tpu.memory_space<semaphore_mem>>, %arg13: memref<!tpu.dma_semaphore, #tpu.memory_space<semaphore_mem>>, %arg14: memref<!tpu.dma_semaphore, #tpu.memory_space<semaphore_mem>>, %arg15: memref<!tpu.dma_semaphore, #tpu.memory_space<semaphore_mem>>) attributes {dimension_semantics = [#tpu.dimension_semantics<core_parallel>, #tpu.dimension_semantics<subcore_parallel>], iteration_bounds = array<i64: 2, 16>, scalar_prefetch = 0 : i64, scratch_operands = 11 : i64, tpu.core_type = #tpu.core_type<sc_vector_subcore>, window_params = [{transform_indices = #map}, {transform_indices = #map1}, {transform_indices = #map1}]} {
    %mul3A = arith.constant 16 : i32
    %mul3A_0 = arith.muli %arg0, %mul3A : i32
    %add3A = arith.addi %mul3A_0, %arg1 : i32
    %scan3A = arith.constant 0 : i32
    %scan3A_1 = arith.constant 0 : i32
    %scan3A_2 = arith.constant 1024 : i32
    %scan3A_3 = arith.addi %scan3A_1, %scan3A_2 : i32
    %scan3A_4 = arith.constant 1 : i32
    scf.for %scan3A_29 = %scan3A_1 to %scan3A_3 step %scan3A_4  : i32 {
      %jit3A = arith.constant 8 : i32
      %div3A = arith.divsi %scan3A_29, %jit3A : i32
      %sign3A = arith.constant 0 : i32
      %sign3A_30 = arith.cmpi sgt, %scan3A_29, %sign3A : i32
      %sign3A_31 = arith.extui %sign3A_30 : i1 to i32
      %sign3A_32 = arith.constant 0 : i32
      %sign3A_33 = arith.cmpi slt, %scan3A_29, %sign3A_32 : i32
      %sign3A_34 = arith.extui %sign3A_33 : i1 to i32
      %sign3A_35 = arith.subi %sign3A_31, %sign3A_34 : i32
      %sign3A_36 = arith.constant 0 : i32
      %sign3A_37 = arith.cmpi sgt, %jit3A, %sign3A_36 : i32
      %sign3A_38 = arith.extui %sign3A_37 : i1 to i32
      %sign3A_39 = arith.constant 0 : i32
      %sign3A_40 = arith.cmpi slt, %jit3A, %sign3A_39 : i32
      %sign3A_41 = arith.extui %sign3A_40 : i1 to i32
      %sign3A_42 = arith.subi %sign3A_38, %sign3A_41 : i32
      %ne3A = arith.cmpi ne, %sign3A_35, %sign3A_42 : i32
      %rem3A = arith.remsi %scan3A_29, %jit3A : i32
      %ne3A_43 = arith.constant 0 : i32
      %ne3A_44 = arith.cmpi ne, %rem3A, %ne3A_43 : i32
      %and3A = arith.andi %ne3A, %ne3A_44 : i1
      %sub3A = arith.constant 1 : i32
      %sub3A_45 = arith.subi %div3A, %sub3A : i32
      %select_n3A = arith.select %and3A, %sub3A_45, %div3A : i32
      %jit3A_46 = arith.constant 8 : i32
      %eq3A = arith.constant 0 : i32
      %eq3A_47 = arith.cmpi eq, %jit3A_46, %eq3A : i32
      %jit3A_48 = arith.constant 1 : i32
      %select_n3A_49 = arith.select %eq3A_47, %jit3A_48, %jit3A_46 : i32
      %rem3A_50 = arith.remsi %scan3A_29, %select_n3A_49 : i32
      %ne3A_51 = arith.constant 0 : i32
      %ne3A_52 = arith.cmpi ne, %rem3A_50, %ne3A_51 : i32
      %lt3A = arith.constant 0 : i32
      %lt3A_53 = arith.cmpi slt, %rem3A_50, %lt3A : i32
      %lt3A_54 = arith.constant 0 : i32
      %lt3A_55 = arith.cmpi slt, %select_n3A_49, %lt3A_54 : i32
      %ne3A_56 = arith.xori %lt3A_53, %lt3A_55 : i1
      %and3A_57 = arith.andi %ne3A_56, %ne3A_52 : i1
      %add3A_58 = arith.addi %rem3A_50, %select_n3A_49 : i32
      %select_n3A_59 = arith.select %and3A_57, %add3A_58, %rem3A_50 : i32
      %mul3A_60 = arith.constant 16 : i32
      %mul3A_61 = arith.muli %select_n3A_59, %mul3A_60 : i32
      %broadcast_in_dim3A = arith.constant 0.000000e+00 : f32
      %broadcast_in_dim3A_62 = vector.broadcast %broadcast_in_dim3A : f32 to vector<16xf32>
      %swap3A = arith.index_cast %select_n3A : i32 to index
      %swap3A_63 = arith.index_cast %mul3A_61 : i32 to index
      %swap3A_64 = tpu.vector_load %arg9[%swap3A, %swap3A_63] {strides = array<i32>} : memref<128x128xf32, #tpu.memory_space<vmem>>, vector<1x16xf32>,
      %swap3A_65 = vector.shape_cast %swap3A_64 : vector<1x16xf32> to vector<16xf32>
      %swap3A_66 = vector.shape_cast %broadcast_in_dim3A_62 : vector<16xf32> to vector<1x16xf32>
      tpu.vector_store %arg9[%swap3A, %swap3A_63], %swap3A_66 {strides = array<i32>} : memref<128x128xf32, #tpu.memory_space<vmem>>, vector<1x16xf32>,
    }
    %scan3A_5 = arith.constant 1024 : i32
    %mul3A_6 = arith.constant 640 : i32
    %mul3A_7 = arith.muli %arg1, %mul3A_6 : i32
    %scan3A_8 = arith.constant 0 : i32
    %scan3A_9 = arith.constant 0 : i32
    %scan3A_10 = arith.constant 5 : i32
    %scan3A_11 = arith.addi %scan3A_9, %scan3A_10 : i32
    %scan3A_12 = arith.constant 1 : i32
    scf.for %scan3A_29 = %scan3A_9 to %scan3A_11 step %scan3A_12  : i32 {
      %mul3A_30 = arith.constant 128 : i32
      %mul3A_31 = arith.muli %scan3A_29, %mul3A_30 : i32
      %add3A_32 = arith.addi %mul3A_7, %mul3A_31 : i32
      "tpu.region"() ({
        %run_scoped3A = tpu.sem_alloc : memref<!tpu.dma_semaphore, #tpu.memory_space<semaphore_mem>>
        %dma_start3A = arith.constant 0 : i32
        %dma_start3A_33 = arith.constant 0 : i32
        %dma_start3A_34 = tpu.memref_slice %arg9[%dma_start3A, %dma_start3A_33] : memref<128x128xf32, #tpu.memory_space<vmem>> -> memref<128x128xf32, #tpu.memory_space<vmem>>
        %dma_start3A_35 = arith.constant 0 : i32
        %dma_start3A_36 = tpu.memref_slice %arg10[%add3A_32, %dma_start3A_35] : memref<10240x128xf32, #tpu.memory_space<vmem_shared>> -> memref<128x128xf32, #tpu.memory_space<vmem_shared>>
        %dma_start3A_37 = arith.constant 0 : i32
        %dma_start3A_38 = tpu.memref_slice %arg10[%add3A_32, %dma_start3A_37] : memref<10240x128xf32, #tpu.memory_space<vmem_shared>> -> memref<128x128xf32, #tpu.memory_space<vmem_shared>>
        %dma_start3A_39 = arith.constant 0 : i32
        %dma_start3A_40 = arith.constant 0 : i32
        %dma_start3A_41 = tpu.memref_slice %arg9[%dma_start3A_39, %dma_start3A_40] : memref<128x128xf32, #tpu.memory_space<vmem>> -> memref<128x128xf32, #tpu.memory_space<vmem>>
        tpu.enqueue_dma source(%dma_start3A_41 : memref<128x128xf32, #tpu.memory_space<vmem>>) target(%dma_start3A_38 : memref<128x128xf32, #tpu.memory_space<vmem_shared>>) target_semaphore(%run_scoped3A : memref<!tpu.dma_semaphore, #tpu.memory_space<semaphore_mem>>)
        %dma_wait3A = arith.constant 0 : i32
        %dma_wait3A_42 = arith.constant 0 : i32
        %dma_wait3A_43 = tpu.memref_slice %arg9[%dma_wait3A, %dma_wait3A_42] : memref<128x128xf32, #tpu.memory_space<vmem>> -> memref<128x128xf32, #tpu.memory_space<vmem>>
        %dma_wait3A_44 = arith.constant 0 : i32
        %dma_wait3A_45 = tpu.memref_slice %arg10[%add3A_32, %dma_wait3A_44] : memref<10240x128xf32, #tpu.memory_space<vmem_shared>> -> memref<128x128xf32, #tpu.memory_space<vmem_shared>>
        %dma_wait3A_46 = arith.constant 0 : i32
        %dma_wait3A_47 = tpu.memref_slice %arg10[%add3A_32, %dma_wait3A_46] : memref<10240x128xf32, #tpu.memory_space<vmem_shared>> -> memref<128x128xf32, #tpu.memory_space<vmem_shared>>
        %dma_wait3A_48 = arith.constant 0 : i32
        %dma_wait3A_49 = arith.constant 0 : i32
        %dma_wait3A_50 = tpu.memref_slice %arg9[%dma_wait3A_48, %dma_wait3A_49] : memref<128x128xf32, #tpu.memory_space<vmem>> -> memref<128x128xf32, #tpu.memory_space<vmem>>
        tpu.wait_dma2 semaphore(%run_scoped3A : memref<!tpu.dma_semaphore, #tpu.memory_space<semaphore_mem>>) src(%dma_wait3A_50 : memref<128x128xf32, #tpu.memory_space<vmem>>) dst(%dma_wait3A_47 : memref<128x128xf32, #tpu.memory_space<vmem_shared>>)
        tpu.yield
      }) : () -> ()
    }
    %scan3A_13 = arith.constant 5 : i32
    %barrier3A = arith.constant 0 : index
    tpu.barrier barrier_id(%barrier3A)
    %mul3A_14 = arith.constant 80 : i32
    %mul3A_15 = arith.muli %add3A, %mul3A_14 : i32
    %scan3A_16 = arith.constant 0 : i32
    %scan3A_17 = arith.constant 0 : i32
    %scan3A_18 = arith.constant 20 : i32
    %scan3A_19 = arith.addi %scan3A_17, %scan3A_18 : i32
    %scan3A_20 = arith.constant 1 : i32
    scf.for %scan3A_29 = %scan3A_17 to %scan3A_19 step %scan3A_20  : i32 {
      %mul3A_30 = arith.constant 4 : i32
      %mul3A_31 = arith.muli %mul3A_30, %scan3A_29 : i32
      %add3A_32 = arith.addi %mul3A_15, %mul3A_31 : i32
      %add3A_33 = arith.constant 0 : i32
      %add3A_34 = arith.addi %add3A_32, %add3A_33 : i32
      %dma_start3A = arith.constant 0 : i32
      %dma_start3A_35 = arith.constant 0 : i32
      %dma_start3A_36 = tpu.memref_slice %arg3[%add3A_34, %dma_start3A, %dma_start3A_35] : memref<2560x2x128xi32, #tpu.memory_space<hbm>> -> memref<1x2x128xi32, #tpu.memory_space<hbm>>
      %dma_start3A_37 = tpu.memref_squeeze %dma_start3A_36 : memref<1x2x128xi32, #tpu.memory_space<hbm>> -> memref<2x128xi32, #tpu.memory_space<hbm>>
      %dma_start3A_38 = arith.constant 0 : i32
      %dma_start3A_39 = arith.constant 0 : i32
      %dma_start3A_40 = tpu.memref_slice %arg3[%add3A_34, %dma_start3A_38, %dma_start3A_39] : memref<2560x2x128xi32, #tpu.memory_space<hbm>> -> memref<1x2x128xi32, #tpu.memory_space<hbm>>
      %dma_start3A_41 = tpu.memref_squeeze %dma_start3A_40 : memref<1x2x128xi32, #tpu.memory_space<hbm>> -> memref<2x128xi32, #tpu.memory_space<hbm>>
      tpu.enqueue_dma source(%dma_start3A_41 : memref<2x128xi32, #tpu.memory_space<hbm>>) target(%arg5 : memref<2x128xi32, #tpu.memory_space<vmem>>) target_semaphore(%arg12 : memref<!tpu.dma_semaphore, #tpu.memory_space<semaphore_mem>>)
      %add3A_42 = arith.constant 1 : i32
      %add3A_43 = arith.addi %add3A_32, %add3A_42 : i32
      %dma_start3A_44 = arith.constant 0 : i32
      %dma_start3A_45 = arith.constant 0 : i32
      %dma_start3A_46 = tpu.memref_slice %arg3[%add3A_43, %dma_start3A_44, %dma_start3A_45] : memref<2560x2x128xi32, #tpu.memory_space<hbm>> -> memref<1x2x128xi32, #tpu.memory_space<hbm>>
      %dma_start3A_47 = tpu.memref_squeeze %dma_start3A_46 : memref<1x2x128xi32, #tpu.memory_space<hbm>> -> memref<2x128xi32, #tpu.memory_space<hbm>>
      %dma_start3A_48 = arith.constant 0 : i32
      %dma_start3A_49 = arith.constant 0 : i32
      %dma_start3A_50 = tpu.memref_slice %arg3[%add3A_43, %dma_start3A_48, %dma_start3A_49] : memref<2560x2x128xi32, #tpu.memory_space<hbm>> -> memref<1x2x128xi32, #tpu.memory_space<hbm>>
      %dma_start3A_51 = tpu.memref_squeeze %dma_start3A_50 : memref<1x2x128xi32, #tpu.memory_space<hbm>> -> memref<2x128xi32, #tpu.memory_space<hbm>>
      tpu.enqueue_dma source(%dma_start3A_51 : memref<2x128xi32, #tpu.memory_space<hbm>>) target(%arg6 : memref<2x128xi32, #tpu.memory_space<vmem>>) target_semaphore(%arg13 : memref<!tpu.dma_semaphore, #tpu.memory_space<semaphore_mem>>)
      %add3A_52 = arith.constant 2 : i32
      %add3A_53 = arith.addi %add3A_32, %add3A_52 : i32
      %dma_start3A_54 = arith.constant 0 : i32
      %dma_start3A_55 = arith.constant 0 : i32
      %dma_start3A_56 = tpu.memref_slice %arg3[%add3A_53, %dma_start3A_54, %dma_start3A_55] : memref<2560x2x128xi32, #tpu.memory_space<hbm>> -> memref<1x2x128xi32, #tpu.memory_space<hbm>>
      %dma_start3A_57 = tpu.memref_squeeze %dma_start3A_56 : memref<1x2x128xi32, #tpu.memory_space<hbm>> -> memref<2x128xi32, #tpu.memory_space<hbm>>
      %dma_start3A_58 = arith.constant 0 : i32
      %dma_start3A_59 = arith.constant 0 : i32
      %dma_start3A_60 = tpu.memref_slice %arg3[%add3A_53, %dma_start3A_58, %dma_start3A_59] : memref<2560x2x128xi32, #tpu.memory_space<hbm>> -> memref<1x2x128xi32, #tpu.memory_space<hbm>>
      %dma_start3A_61 = tpu.memref_squeeze %dma_start3A_60 : memref<1x2x128xi32, #tpu.memory_space<hbm>> -> memref<2x128xi32, #tpu.memory_space<hbm>>
      tpu.enqueue_dma source(%dma_start3A_61 : memref<2x128xi32, #tpu.memory_space<hbm>>) target(%arg7 : memref<2x128xi32, #tpu.memory_space<vmem>>) target_semaphore(%arg14 : memref<!tpu.dma_semaphore, #tpu.memory_space<semaphore_mem>>)
      %add3A_62 = arith.constant 3 : i32
      %add3A_63 = arith.addi %add3A_32, %add3A_62 : i32
      %dma_start3A_64 = arith.constant 0 : i32
      %dma_start3A_65 = arith.constant 0 : i32
      %dma_start3A_66 = tpu.memref_slice %arg3[%add3A_63, %dma_start3A_64, %dma_start3A_65] : memref<2560x2x128xi32, #tpu.memory_space<hbm>> -> memref<1x2x128xi32, #tpu.memory_space<hbm>>
      %dma_start3A_67 = tpu.memref_squeeze %dma_start3A_66 : memref<1x2x128xi32, #tpu.memory_space<hbm>> -> memref<2x128xi32, #tpu.memory_space<hbm>>
      %dma_start3A_68 = arith.constant 0 : i32
      %dma_start3A_69 = arith.constant 0 : i32
      %dma_start3A_70 = tpu.memref_slice %arg3[%add3A_63, %dma_start3A_68, %dma_start3A_69] : memref<2560x2x128xi32, #tpu.memory_space<hbm>> -> memref<1x2x128xi32, #tpu.memory_space<hbm>>
      %dma_start3A_71 = tpu.memref_squeeze %dma_start3A_70 : memref<1x2x128xi32, #tpu.memory_space<hbm>> -> memref<2x128xi32, #tpu.memory_space<hbm>>
      tpu.enqueue_dma source(%dma_start3A_71 : memref<2x128xi32, #tpu.memory_space<hbm>>) target(%arg8 : memref<2x128xi32, #tpu.memory_space<vmem>>) target_semaphore(%arg15 : memref<!tpu.dma_semaphore, #tpu.memory_space<semaphore_mem>>)
      %dma_wait3A = arith.constant 0 : i32
      %dma_wait3A_72 = arith.constant 0 : i32
      %dma_wait3A_73 = tpu.memref_slice %arg3[%add3A_34, %dma_wait3A, %dma_wait3A_72] : memref<2560x2x128xi32, #tpu.memory_space<hbm>> -> memref<1x2x128xi32, #tpu.memory_space<hbm>>
      %dma_wait3A_74 = tpu.memref_squeeze %dma_wait3A_73 : memref<1x2x128xi32, #tpu.memory_space<hbm>> -> memref<2x128xi32, #tpu.memory_space<hbm>>
      %dma_wait3A_75 = arith.constant 0 : i32
      %dma_wait3A_76 = arith.constant 0 : i32
      %dma_wait3A_77 = tpu.memref_slice %arg3[%add3A_34, %dma_wait3A_75, %dma_wait3A_76] : memref<2560x2x128xi32, #tpu.memory_space<hbm>> -> memref<1x2x128xi32, #tpu.memory_space<hbm>>
      %dma_wait3A_78 = tpu.memref_squeeze %dma_wait3A_77 : memref<1x2x128xi32, #tpu.memory_space<hbm>> -> memref<2x128xi32, #tpu.memory_space<hbm>>
      tpu.wait_dma2 semaphore(%arg12 : memref<!tpu.dma_semaphore, #tpu.memory_space<semaphore_mem>>) src(%dma_wait3A_78 : memref<2x128xi32, #tpu.memory_space<hbm>>) dst(%arg5 : memref<2x128xi32, #tpu.memory_space<vmem>>)
      %dma_start3A_79 = arith.constant 0 : i32
      %dma_start3A_80 = arith.constant 0 : i32
      %dma_start3A_81 = tpu.memref_slice %arg5[%dma_start3A_79, %dma_start3A_80] : memref<2x128xi32, #tpu.memory_space<vmem>> -> memref<1x128xi32, #tpu.memory_space<vmem>>
      %dma_start3A_82 = tpu.memref_squeeze %dma_start3A_81 : memref<1x128xi32, #tpu.memory_space<vmem>> -> memref<128xi32, #tpu.memory_space<vmem>>
      %dma_start3A_83 = arith.constant 0 : i32
      %dma_start3A_84 = arith.constant 0 : i32
      %dma_start3A_85 = tpu.memref_slice %arg2[%dma_start3A_83, %dma_start3A_84] : memref<10000x128xf32, #tpu.memory_space<hbm>> -> memref<10000x128xf32, #tpu.memory_space<hbm>>
      tpu.enqueue_indirect_dma source(%dma_start3A_85 : memref<10000x128xf32, #tpu.memory_space<hbm>>) target(%arg9 : memref<128x128xf32, #tpu.memory_space<vmem>>) offsets(%dma_start3A_82 : memref<128xi32, #tpu.memory_space<vmem>>) semaphore(%arg11 : memref<!tpu.dma_semaphore, #tpu.memory_space<semaphore_mem>>)
      %dma_wait3A_86 = arith.constant 0 : i32
      %dma_wait3A_87 = arith.constant 0 : i32
      %dma_wait3A_88 = tpu.memref_slice %arg5[%dma_wait3A_86, %dma_wait3A_87] : memref<2x128xi32, #tpu.memory_space<vmem>> -> memref<1x128xi32, #tpu.memory_space<vmem>>
      %dma_wait3A_89 = tpu.memref_squeeze %dma_wait3A_88 : memref<1x128xi32, #tpu.memory_space<vmem>> -> memref<128xi32, #tpu.memory_space<vmem>>
      %dma_wait3A_90 = arith.constant 0 : i32
      %dma_wait3A_91 = arith.constant 0 : i32
      %dma_wait3A_92 = tpu.memref_slice %arg2[%dma_wait3A_90, %dma_wait3A_91] : memref<10000x128xf32, #tpu.memory_space<hbm>> -> memref<10000x128xf32, #tpu.memory_space<hbm>>
      tpu.wait_indirect_dma semaphore(%arg11 : memref<!tpu.dma_semaphore, #tpu.memory_space<semaphore_mem>>) src(%dma_wait3A_92 : memref<10000x128xf32, #tpu.memory_space<hbm>>) dst(%arg9 : memref<128x128xf32, #tpu.memory_space<vmem>>)
      %run_scoped3A = arith.constant 1 : i32
      "tpu.region"() ({
        %run_scoped3A_162 = tpu.sem_alloc : memref<!tpu.dma_semaphore, #tpu.memory_space<semaphore_mem>>
        %dma_start3A_163 = arith.constant 0 : i32
        %dma_start3A_164 = tpu.memref_slice %arg5[%run_scoped3A, %dma_start3A_163] : memref<2x128xi32, #tpu.memory_space<vmem>> -> memref<1x128xi32, #tpu.memory_space<vmem>>
        %dma_start3A_165 = tpu.memref_squeeze %dma_start3A_164 : memref<1x128xi32, #tpu.memory_space<vmem>> -> memref<128xi32, #tpu.memory_space<vmem>>
        %dma_start3A_166 = arith.constant 0 : i32
        %dma_start3A_167 = arith.constant 0 : i32
        %dma_start3A_168 = tpu.memref_slice %arg10[%dma_start3A_166, %dma_start3A_167] : memref<10240x128xf32, #tpu.memory_space<vmem_shared>> -> memref<10240x128xf32, #tpu.memory_space<vmem_shared>>
        tpu.enqueue_indirect_dma source(%arg9 : memref<128x128xf32, #tpu.memory_space<vmem>>) target(%dma_start3A_168 : memref<10240x128xf32, #tpu.memory_space<vmem_shared>>) offsets(%dma_start3A_165 : memref<128xi32, #tpu.memory_space<vmem>>) semaphore(%run_scoped3A_162 : memref<!tpu.dma_semaphore, #tpu.memory_space<semaphore_mem>>) {add = true}
        %dma_wait3A_169 = arith.constant 0 : i32
        %dma_wait3A_170 = tpu.memref_slice %arg5[%run_scoped3A, %dma_wait3A_169] : memref<2x128xi32, #tpu.memory_space<vmem>> -> memref<1x128xi32, #tpu.memory_space<vmem>>
        %dma_wait3A_171 = tpu.memref_squeeze %dma_wait3A_170 : memref<1x128xi32, #tpu.memory_space<vmem>> -> memref<128xi32, #tpu.memory_space<vmem>>
        %dma_wait3A_172 = arith.constant 0 : i32
        %dma_wait3A_173 = arith.constant 0 : i32
        %dma_wait3A_174 = tpu.memref_slice %arg10[%dma_wait3A_172, %dma_wait3A_173] : memref<10240x128xf32, #tpu.memory_space<vmem_shared>> -> memref<10240x128xf32, #tpu.memory_space<vmem_shared>>
        tpu.wait_indirect_dma semaphore(%run_scoped3A_162 : memref<!tpu.dma_semaphore, #tpu.memory_space<semaphore_mem>>) src(%arg9 : memref<128x128xf32, #tpu.memory_space<vmem>>) dst(%dma_wait3A_174 : memref<10240x128xf32, #tpu.memory_space<vmem_shared>>)
        tpu.yield
      }) : () -> ()
      %dma_wait3A_93 = arith.constant 0 : i32
      %dma_wait3A_94 = arith.constant 0 : i32
      %dma_wait3A_95 = tpu.memref_slice %arg3[%add3A_43, %dma_wait3A_93, %dma_wait3A_94] : memref<2560x2x128xi32, #tpu.memory_space<hbm>> -> memref<1x2x128xi32, #tpu.memory_space<hbm>>
      %dma_wait3A_96 = tpu.memref_squeeze %dma_wait3A_95 : memref<1x2x128xi32, #tpu.memory_space<hbm>> -> memref<2x128xi32, #tpu.memory_space<hbm>>
      %dma_wait3A_97 = arith.constant 0 : i32
      %dma_wait3A_98 = arith.constant 0 : i32
      %dma_wait3A_99 = tpu.memref_slice %arg3[%add3A_43, %dma_wait3A_97, %dma_wait3A_98] : memref<2560x2x128xi32, #tpu.memory_space<hbm>> -> memref<1x2x128xi32, #tpu.memory_space<hbm>>
      %dma_wait3A_100 = tpu.memref_squeeze %dma_wait3A_99 : memref<1x2x128xi32, #tpu.memory_space<hbm>> -> memref<2x128xi32, #tpu.memory_space<hbm>>
      tpu.wait_dma2 semaphore(%arg13 : memref<!tpu.dma_semaphore, #tpu.memory_space<semaphore_mem>>) src(%dma_wait3A_100 : memref<2x128xi32, #tpu.memory_space<hbm>>) dst(%arg6 : memref<2x128xi32, #tpu.memory_space<vmem>>)
      %dma_start3A_101 = arith.constant 0 : i32
      %dma_start3A_102 = arith.constant 0 : i32
      %dma_start3A_103 = tpu.memref_slice %arg6[%dma_start3A_101, %dma_start3A_102] : memref<2x128xi32, #tpu.memory_space<vmem>> -> memref<1x128xi32, #tpu.memory_space<vmem>>
      %dma_start3A_104 = tpu.memref_squeeze %dma_start3A_103 : memref<1x128xi32, #tpu.memory_space<vmem>> -> memref<128xi32, #tpu.memory_space<vmem>>
      %dma_start3A_105 = arith.constant 0 : i32
      %dma_start3A_106 = arith.constant 0 : i32
      %dma_start3A_107 = tpu.memref_slice %arg2[%dma_start3A_105, %dma_start3A_106] : memref<10000x128xf32, #tpu.memory_space<hbm>> -> memref<10000x128xf32, #tpu.memory_space<hbm>>
      tpu.enqueue_indirect_dma source(%dma_start3A_107 : memref<10000x128xf32, #tpu.memory_space<hbm>>) target(%arg9 : memref<128x128xf32, #tpu.memory_space<vmem>>) offsets(%dma_start3A_104 : memref<128xi32, #tpu.memory_space<vmem>>) semaphore(%arg11 : memref<!tpu.dma_semaphore, #tpu.memory_space<semaphore_mem>>)
      %dma_wait3A_108 = arith.constant 0 : i32
      %dma_wait3A_109 = arith.constant 0 : i32
      %dma_wait3A_110 = tpu.memref_slice %arg6[%dma_wait3A_108, %dma_wait3A_109] : memref<2x128xi32, #tpu.memory_space<vmem>> -> memref<1x128xi32, #tpu.memory_space<vmem>>
      %dma_wait3A_111 = tpu.memref_squeeze %dma_wait3A_110 : memref<1x128xi32, #tpu.memory_space<vmem>> -> memref<128xi32, #tpu.memory_space<vmem>>
      %dma_wait3A_112 = arith.constant 0 : i32
      %dma_wait3A_113 = arith.constant 0 : i32
      %dma_wait3A_114 = tpu.memref_slice %arg2[%dma_wait3A_112, %dma_wait3A_113] : memref<10000x128xf32, #tpu.memory_space<hbm>> -> memref<10000x128xf32, #tpu.memory_space<hbm>>
      tpu.wait_indirect_dma semaphore(%arg11 : memref<!tpu.dma_semaphore, #tpu.memory_space<semaphore_mem>>) src(%dma_wait3A_114 : memref<10000x128xf32, #tpu.memory_space<hbm>>) dst(%arg9 : memref<128x128xf32, #tpu.memory_space<vmem>>)
      %run_scoped3A_115 = arith.constant 1 : i32
      "tpu.region"() ({
        %run_scoped3A_162 = tpu.sem_alloc : memref<!tpu.dma_semaphore, #tpu.memory_space<semaphore_mem>>
        %dma_start3A_163 = arith.constant 0 : i32
        %dma_start3A_164 = tpu.memref_slice %arg6[%run_scoped3A_115, %dma_start3A_163] : memref<2x128xi32, #tpu.memory_space<vmem>> -> memref<1x128xi32, #tpu.memory_space<vmem>>
        %dma_start3A_165 = tpu.memref_squeeze %dma_start3A_164 : memref<1x128xi32, #tpu.memory_space<vmem>> -> memref<128xi32, #tpu.memory_space<vmem>>
        %dma_start3A_166 = arith.constant 0 : i32
        %dma_start3A_167 = arith.constant 0 : i32
        %dma_start3A_168 = tpu.memref_slice %arg10[%dma_start3A_166, %dma_start3A_167] : memref<10240x128xf32, #tpu.memory_space<vmem_shared>> -> memref<10240x128xf32, #tpu.memory_space<vmem_shared>>
        tpu.enqueue_indirect_dma source(%arg9 : memref<128x128xf32, #tpu.memory_space<vmem>>) target(%dma_start3A_168 : memref<10240x128xf32, #tpu.memory_space<vmem_shared>>) offsets(%dma_start3A_165 : memref<128xi32, #tpu.memory_space<vmem>>) semaphore(%run_scoped3A_162 : memref<!tpu.dma_semaphore, #tpu.memory_space<semaphore_mem>>) {add = true}
        %dma_wait3A_169 = arith.constant 0 : i32
        %dma_wait3A_170 = tpu.memref_slice %arg6[%run_scoped3A_115, %dma_wait3A_169] : memref<2x128xi32, #tpu.memory_space<vmem>> -> memref<1x128xi32, #tpu.memory_space<vmem>>
        %dma_wait3A_171 = tpu.memref_squeeze %dma_wait3A_170 : memref<1x128xi32, #tpu.memory_space<vmem>> -> memref<128xi32, #tpu.memory_space<vmem>>
        %dma_wait3A_172 = arith.constant 0 : i32
        %dma_wait3A_173 = arith.constant 0 : i32
        %dma_wait3A_174 = tpu.memref_slice %arg10[%dma_wait3A_172, %dma_wait3A_173] : memref<10240x128xf32, #tpu.memory_space<vmem_shared>> -> memref<10240x128xf32, #tpu.memory_space<vmem_shared>>
        tpu.wait_indirect_dma semaphore(%run_scoped3A_162 : memref<!tpu.dma_semaphore, #tpu.memory_space<semaphore_mem>>) src(%arg9 : memref<128x128xf32, #tpu.memory_space<vmem>>) dst(%dma_wait3A_174 : memref<10240x128xf32, #tpu.memory_space<vmem_shared>>)
        tpu.yield
      }) : () -> ()
      %dma_wait3A_116 = arith.constant 0 : i32
      %dma_wait3A_117 = arith.constant 0 : i32
      %dma_wait3A_118 = tpu.memref_slice %arg3[%add3A_53, %dma_wait3A_116, %dma_wait3A_117] : memref<2560x2x128xi32, #tpu.memory_space<hbm>> -> memref<1x2x128xi32, #tpu.memory_space<hbm>>
      %dma_wait3A_119 = tpu.memref_squeeze %dma_wait3A_118 : memref<1x2x128xi32, #tpu.memory_space<hbm>> -> memref<2x128xi32, #tpu.memory_space<hbm>>
      %dma_wait3A_120 = arith.constant 0 : i32
      %dma_wait3A_121 = arith.constant 0 : i32
      %dma_wait3A_122 = tpu.memref_slice %arg3[%add3A_53, %dma_wait3A_120, %dma_wait3A_121] : memref<2560x2x128xi32, #tpu.memory_space<hbm>> -> memref<1x2x128xi32, #tpu.memory_space<hbm>>
      %dma_wait3A_123 = tpu.memref_squeeze %dma_wait3A_122 : memref<1x2x128xi32, #tpu.memory_space<hbm>> -> memref<2x128xi32, #tpu.memory_space<hbm>>
      tpu.wait_dma2 semaphore(%arg14 : memref<!tpu.dma_semaphore, #tpu.memory_space<semaphore_mem>>) src(%dma_wait3A_123 : memref<2x128xi32, #tpu.memory_space<hbm>>) dst(%arg7 : memref<2x128xi32, #tpu.memory_space<vmem>>)
      %dma_start3A_124 = arith.constant 0 : i32
      %dma_start3A_125 = arith.constant 0 : i32
      %dma_start3A_126 = tpu.memref_slice %arg7[%dma_start3A_124, %dma_start3A_125] : memref<2x128xi32, #tpu.memory_space<vmem>> -> memref<1x128xi32, #tpu.memory_space<vmem>>
      %dma_start3A_127 = tpu.memref_squeeze %dma_start3A_126 : memref<1x128xi32, #tpu.memory_space<vmem>> -> memref<128xi32, #tpu.memory_space<vmem>>
      %dma_start3A_128 = arith.constant 0 : i32
      %dma_start3A_129 = arith.constant 0 : i32
      %dma_start3A_130 = tpu.memref_slice %arg2[%dma_start3A_128, %dma_start3A_129] : memref<10000x128xf32, #tpu.memory_space<hbm>> -> memref<10000x128xf32, #tpu.memory_space<hbm>>
      tpu.enqueue_indirect_dma source(%dma_start3A_130 : memref<10000x128xf32, #tpu.memory_space<hbm>>) target(%arg9 : memref<128x128xf32, #tpu.memory_space<vmem>>) offsets(%dma_start3A_127 : memref<128xi32, #tpu.memory_space<vmem>>) semaphore(%arg11 : memref<!tpu.dma_semaphore, #tpu.memory_space<semaphore_mem>>)
      %dma_wait3A_131 = arith.constant 0 : i32
      %dma_wait3A_132 = arith.constant 0 : i32
      %dma_wait3A_133 = tpu.memref_slice %arg7[%dma_wait3A_131, %dma_wait3A_132] : memref<2x128xi32, #tpu.memory_space<vmem>> -> memref<1x128xi32, #tpu.memory_space<vmem>>
      %dma_wait3A_134 = tpu.memref_squeeze %dma_wait3A_133 : memref<1x128xi32, #tpu.memory_space<vmem>> -> memref<128xi32, #tpu.memory_space<vmem>>
      %dma_wait3A_135 = arith.constant 0 : i32
      %dma_wait3A_136 = arith.constant 0 : i32
      %dma_wait3A_137 = tpu.memref_slice %arg2[%dma_wait3A_135, %dma_wait3A_136] : memref<10000x128xf32, #tpu.memory_space<hbm>> -> memref<10000x128xf32, #tpu.memory_space<hbm>>
      tpu.wait_indirect_dma semaphore(%arg11 : memref<!tpu.dma_semaphore, #tpu.memory_space<semaphore_mem>>) src(%dma_wait3A_137 : memref<10000x128xf32, #tpu.memory_space<hbm>>) dst(%arg9 : memref<128x128xf32, #tpu.memory_space<vmem>>)
      %run_scoped3A_138 = arith.constant 1 : i32
      "tpu.region"() ({
        %run_scoped3A_162 = tpu.sem_alloc : memref<!tpu.dma_semaphore, #tpu.memory_space<semaphore_mem>>
        %dma_start3A_163 = arith.constant 0 : i32
        %dma_start3A_164 = tpu.memref_slice %arg7[%run_scoped3A_138, %dma_start3A_163] : memref<2x128xi32, #tpu.memory_space<vmem>> -> memref<1x128xi32, #tpu.memory_space<vmem>>
        %dma_start3A_165 = tpu.memref_squeeze %dma_start3A_164 : memref<1x128xi32, #tpu.memory_space<vmem>> -> memref<128xi32, #tpu.memory_space<vmem>>
        %dma_start3A_166 = arith.constant 0 : i32
        %dma_start3A_167 = arith.constant 0 : i32
        %dma_start3A_168 = tpu.memref_slice %arg10[%dma_start3A_166, %dma_start3A_167] : memref<10240x128xf32, #tpu.memory_space<vmem_shared>> -> memref<10240x128xf32, #tpu.memory_space<vmem_shared>>
        tpu.enqueue_indirect_dma source(%arg9 : memref<128x128xf32, #tpu.memory_space<vmem>>) target(%dma_start3A_168 : memref<10240x128xf32, #tpu.memory_space<vmem_shared>>) offsets(%dma_start3A_165 : memref<128xi32, #tpu.memory_space<vmem>>) semaphore(%run_scoped3A_162 : memref<!tpu.dma_semaphore, #tpu.memory_space<semaphore_mem>>) {add = true}
        %dma_wait3A_169 = arith.constant 0 : i32
        %dma_wait3A_170 = tpu.memref_slice %arg7[%run_scoped3A_138, %dma_wait3A_169] : memref<2x128xi32, #tpu.memory_space<vmem>> -> memref<1x128xi32, #tpu.memory_space<vmem>>
        %dma_wait3A_171 = tpu.memref_squeeze %dma_wait3A_170 : memref<1x128xi32, #tpu.memory_space<vmem>> -> memref<128xi32, #tpu.memory_space<vmem>>
        %dma_wait3A_172 = arith.constant 0 : i32
        %dma_wait3A_173 = arith.constant 0 : i32
        %dma_wait3A_174 = tpu.memref_slice %arg10[%dma_wait3A_172, %dma_wait3A_173] : memref<10240x128xf32, #tpu.memory_space<vmem_shared>> -> memref<10240x128xf32, #tpu.memory_space<vmem_shared>>
        tpu.wait_indirect_dma semaphore(%run_scoped3A_162 : memref<!tpu.dma_semaphore, #tpu.memory_space<semaphore_mem>>) src(%arg9 : memref<128x128xf32, #tpu.memory_space<vmem>>) dst(%dma_wait3A_174 : memref<10240x128xf32, #tpu.memory_space<vmem_shared>>)
        tpu.yield
      }) : () -> ()
      %dma_wait3A_139 = arith.constant 0 : i32
      %dma_wait3A_140 = arith.constant 0 : i32
      %dma_wait3A_141 = tpu.memref_slice %arg3[%add3A_63, %dma_wait3A_139, %dma_wait3A_140] : memref<2560x2x128xi32, #tpu.memory_space<hbm>> -> memref<1x2x128xi32, #tpu.memory_space<hbm>>
      %dma_wait3A_142 = tpu.memref_squeeze %dma_wait3A_141 : memref<1x2x128xi32, #tpu.memory_space<hbm>> -> memref<2x128xi32, #tpu.memory_space<hbm>>
      %dma_wait3A_143 = arith.constant 0 : i32
      %dma_wait3A_144 = arith.constant 0 : i32
      %dma_wait3A_145 = tpu.memref_slice %arg3[%add3A_63, %dma_wait3A_143, %dma_wait3A_144] : memref<2560x2x128xi32, #tpu.memory_space<hbm>> -> memref<1x2x128xi32, #tpu.memory_space<hbm>>
      %dma_wait3A_146 = tpu.memref_squeeze %dma_wait3A_145 : memref<1x2x128xi32, #tpu.memory_space<hbm>> -> memref<2x128xi32, #tpu.memory_space<hbm>>
      tpu.wait_dma2 semaphore(%arg15 : memref<!tpu.dma_semaphore, #tpu.memory_space<semaphore_mem>>) src(%dma_wait3A_146 : memref<2x128xi32, #tpu.memory_space<hbm>>) dst(%arg8 : memref<2x128xi32, #tpu.memory_space<vmem>>)
      %dma_start3A_147 = arith.constant 0 : i32
      %dma_start3A_148 = arith.constant 0 : i32
      %dma_start3A_149 = tpu.memref_slice %arg8[%dma_start3A_147, %dma_start3A_148] : memref<2x128xi32, #tpu.memory_space<vmem>> -> memref<1x128xi32, #tpu.memory_space<vmem>>
      %dma_start3A_150 = tpu.memref_squeeze %dma_start3A_149 : memref<1x128xi32, #tpu.memory_space<vmem>> -> memref<128xi32, #tpu.memory_space<vmem>>
      %dma_start3A_151 = arith.constant 0 : i32
      %dma_start3A_152 = arith.constant 0 : i32
      %dma_start3A_153 = tpu.memref_slice %arg2[%dma_start3A_151, %dma_start3A_152] : memref<10000x128xf32, #tpu.memory_space<hbm>> -> memref<10000x128xf32, #tpu.memory_space<hbm>>
      tpu.enqueue_indirect_dma source(%dma_start3A_153 : memref<10000x128xf32, #tpu.memory_space<hbm>>) target(%arg9 : memref<128x128xf32, #tpu.memory_space<vmem>>) offsets(%dma_start3A_150 : memref<128xi32, #tpu.memory_space<vmem>>) semaphore(%arg11 : memref<!tpu.dma_semaphore, #tpu.memory_space<semaphore_mem>>)
      %dma_wait3A_154 = arith.constant 0 : i32
      %dma_wait3A_155 = arith.constant 0 : i32
      %dma_wait3A_156 = tpu.memref_slice %arg8[%dma_wait3A_154, %dma_wait3A_155] : memref<2x128xi32, #tpu.memory_space<vmem>> -> memref<1x128xi32, #tpu.memory_space<vmem>>
      %dma_wait3A_157 = tpu.memref_squeeze %dma_wait3A_156 : memref<1x128xi32, #tpu.memory_space<vmem>> -> memref<128xi32, #tpu.memory_space<vmem>>
      %dma_wait3A_158 = arith.constant 0 : i32
      %dma_wait3A_159 = arith.constant 0 : i32
      %dma_wait3A_160 = tpu.memref_slice %arg2[%dma_wait3A_158, %dma_wait3A_159] : memref<10000x128xf32, #tpu.memory_space<hbm>> -> memref<10000x128xf32, #tpu.memory_space<hbm>>
      tpu.wait_indirect_dma semaphore(%arg11 : memref<!tpu.dma_semaphore, #tpu.memory_space<semaphore_mem>>) src(%dma_wait3A_160 : memref<10000x128xf32, #tpu.memory_space<hbm>>) dst(%arg9 : memref<128x128xf32, #tpu.memory_space<vmem>>)
      %run_scoped3A_161 = arith.constant 1 : i32
      "tpu.region"() ({
        %run_scoped3A_162 = tpu.sem_alloc : memref<!tpu.dma_semaphore, #tpu.memory_space<semaphore_mem>>
        %dma_start3A_163 = arith.constant 0 : i32
        %dma_start3A_164 = tpu.memref_slice %arg8[%run_scoped3A_161, %dma_start3A_163] : memref<2x128xi32, #tpu.memory_space<vmem>> -> memref<1x128xi32, #tpu.memory_space<vmem>>
        %dma_start3A_165 = tpu.memref_squeeze %dma_start3A_164 : memref<1x128xi32, #tpu.memory_space<vmem>> -> memref<128xi32, #tpu.memory_space<vmem>>
        %dma_start3A_166 = arith.constant 0 : i32
        %dma_start3A_167 = arith.constant 0 : i32
        %dma_start3A_168 = tpu.memref_slice %arg10[%dma_start3A_166, %dma_start3A_167] : memref<10240x128xf32, #tpu.memory_space<vmem_shared>> -> memref<10240x128xf32, #tpu.memory_space<vmem_shared>>
        tpu.enqueue_indirect_dma source(%arg9 : memref<128x128xf32, #tpu.memory_space<vmem>>) target(%dma_start3A_168 : memref<10240x128xf32, #tpu.memory_space<vmem_shared>>) offsets(%dma_start3A_165 : memref<128xi32, #tpu.memory_space<vmem>>) semaphore(%run_scoped3A_162 : memref<!tpu.dma_semaphore, #tpu.memory_space<semaphore_mem>>) {add = true}
        %dma_wait3A_169 = arith.constant 0 : i32
        %dma_wait3A_170 = tpu.memref_slice %arg8[%run_scoped3A_161, %dma_wait3A_169] : memref<2x128xi32, #tpu.memory_space<vmem>> -> memref<1x128xi32, #tpu.memory_space<vmem>>
        %dma_wait3A_171 = tpu.memref_squeeze %dma_wait3A_170 : memref<1x128xi32, #tpu.memory_space<vmem>> -> memref<128xi32, #tpu.memory_space<vmem>>
        %dma_wait3A_172 = arith.constant 0 : i32
        %dma_wait3A_173 = arith.constant 0 : i32
        %dma_wait3A_174 = tpu.memref_slice %arg10[%dma_wait3A_172, %dma_wait3A_173] : memref<10240x128xf32, #tpu.memory_space<vmem_shared>> -> memref<10240x128xf32, #tpu.memory_space<vmem_shared>>
        tpu.wait_indirect_dma semaphore(%run_scoped3A_162 : memref<!tpu.dma_semaphore, #tpu.memory_space<semaphore_mem>>) src(%arg9 : memref<128x128xf32, #tpu.memory_space<vmem>>) dst(%dma_wait3A_174 : memref<10240x128xf32, #tpu.memory_space<vmem_shared>>)
        tpu.yield
      }) : () -> ()
    }
    %scan3A_21 = arith.constant 20 : i32
    %barrier3A_22 = arith.constant 0 : index
    tpu.barrier barrier_id(%barrier3A_22)
    %scan3A_23 = arith.constant 0 : i32
    %scan3A_24 = arith.constant 0 : i32
    %scan3A_25 = arith.constant 5 : i32
    %scan3A_26 = arith.addi %scan3A_24, %scan3A_25 : i32
    %scan3A_27 = arith.constant 1 : i32
    scf.for %scan3A_29 = %scan3A_24 to %scan3A_26 step %scan3A_27  : i32 {
      %mul3A_30 = arith.constant 128 : i32
      %mul3A_31 = arith.muli %scan3A_29, %mul3A_30 : i32
      %add3A_32 = arith.addi %mul3A_7, %mul3A_31 : i32
      "tpu.region"() ({
        %run_scoped3A = tpu.sem_alloc : memref<!tpu.dma_semaphore, #tpu.memory_space<semaphore_mem>>
        %dma_start3A = arith.constant 0 : i32
        %dma_start3A_36 = arith.constant 0 : i32
        %dma_start3A_37 = tpu.memref_slice %arg9[%dma_start3A, %dma_start3A_36] : memref<128x128xf32, #tpu.memory_space<vmem>> -> memref<128x128xf32, #tpu.memory_space<vmem>>
        %dma_start3A_38 = arith.constant 0 : i32
        %dma_start3A_39 = tpu.memref_slice %arg10[%add3A_32, %dma_start3A_38] : memref<10240x128xf32, #tpu.memory_space<vmem_shared>> -> memref<128x128xf32, #tpu.memory_space<vmem_shared>>
        %dma_start3A_40 = arith.constant 0 : i32
        %dma_start3A_41 = arith.constant 0 : i32
        %dma_start3A_42 = tpu.memref_slice %arg9[%dma_start3A_40, %dma_start3A_41] : memref<128x128xf32, #tpu.memory_space<vmem>> -> memref<128x128xf32, #tpu.memory_space<vmem>>
        %dma_start3A_43 = arith.constant 0 : i32
        %dma_start3A_44 = tpu.memref_slice %arg10[%add3A_32, %dma_start3A_43] : memref<10240x128xf32, #tpu.memory_space<vmem_shared>> -> memref<128x128xf32, #tpu.memory_space<vmem_shared>>
        tpu.enqueue_dma source(%dma_start3A_44 : memref<128x128xf32, #tpu.memory_space<vmem_shared>>) target(%dma_start3A_42 : memref<128x128xf32, #tpu.memory_space<vmem>>) target_semaphore(%run_scoped3A : memref<!tpu.dma_semaphore, #tpu.memory_space<semaphore_mem>>)
        %dma_wait3A = arith.constant 0 : i32
        %dma_wait3A_45 = arith.constant 0 : i32
        %dma_wait3A_46 = tpu.memref_slice %arg9[%dma_wait3A, %dma_wait3A_45] : memref<128x128xf32, #tpu.memory_space<vmem>> -> memref<128x128xf32, #tpu.memory_space<vmem>>
        %dma_wait3A_47 = arith.constant 0 : i32
        %dma_wait3A_48 = tpu.memref_slice %arg10[%add3A_32, %dma_wait3A_47] : memref<10240x128xf32, #tpu.memory_space<vmem_shared>> -> memref<128x128xf32, #tpu.memory_space<vmem_shared>>
        %dma_wait3A_49 = arith.constant 0 : i32
        %dma_wait3A_50 = arith.constant 0 : i32
        %dma_wait3A_51 = tpu.memref_slice %arg9[%dma_wait3A_49, %dma_wait3A_50] : memref<128x128xf32, #tpu.memory_space<vmem>> -> memref<128x128xf32, #tpu.memory_space<vmem>>
        %dma_wait3A_52 = arith.constant 0 : i32
        %dma_wait3A_53 = tpu.memref_slice %arg10[%add3A_32, %dma_wait3A_52] : memref<10240x128xf32, #tpu.memory_space<vmem_shared>> -> memref<128x128xf32, #tpu.memory_space<vmem_shared>>
        tpu.wait_dma2 semaphore(%run_scoped3A : memref<!tpu.dma_semaphore, #tpu.memory_space<semaphore_mem>>) src(%dma_wait3A_53 : memref<128x128xf32, #tpu.memory_space<vmem_shared>>) dst(%dma_wait3A_51 : memref<128x128xf32, #tpu.memory_space<vmem>>)
        tpu.yield
      }) : () -> ()
      %mul3A_33 = arith.constant 128 : i32
      %mul3A_34 = arith.muli %scan3A_29, %mul3A_33 : i32
      %add3A_35 = arith.addi %mul3A_7, %mul3A_34 : i32
      "tpu.region"() ({
        %run_scoped3A = tpu.sem_alloc : memref<!tpu.dma_semaphore, #tpu.memory_space<semaphore_mem>>
        %dma_start3A = arith.constant 0 : i32
        %dma_start3A_36 = arith.constant 0 : i32
        %dma_start3A_37 = tpu.memref_slice %arg9[%dma_start3A, %dma_start3A_36] : memref<128x128xf32, #tpu.memory_space<vmem>> -> memref<128x128xf32, #tpu.memory_space<vmem>>
        %dma_start3A_38 = arith.constant 0 : i32
        %dma_start3A_39 = tpu.memref_slice %arg4[%arg0, %add3A_35, %dma_start3A_38] : memref<2x10240x128xf32, #tpu.memory_space<hbm>> -> memref<1x128x128xf32, #tpu.memory_space<hbm>>
        %dma_start3A_40 = tpu.memref_squeeze %dma_start3A_39 : memref<1x128x128xf32, #tpu.memory_space<hbm>> -> memref<128x128xf32, #tpu.memory_space<hbm>>
        %dma_start3A_41 = arith.constant 0 : i32
        %dma_start3A_42 = tpu.memref_slice %arg4[%arg0, %add3A_35, %dma_start3A_41] : memref<2x10240x128xf32, #tpu.memory_space<hbm>> -> memref<1x128x128xf32, #tpu.memory_space<hbm>>
        %dma_start3A_43 = tpu.memref_squeeze %dma_start3A_42 : memref<1x128x128xf32, #tpu.memory_space<hbm>> -> memref<128x128xf32, #tpu.memory_space<hbm>>
        %dma_start3A_44 = arith.constant 0 : i32
        %dma_start3A_45 = arith.constant 0 : i32
        %dma_start3A_46 = tpu.memref_slice %arg9[%dma_start3A_44, %dma_start3A_45] : memref<128x128xf32, #tpu.memory_space<vmem>> -> memref<128x128xf32, #tpu.memory_space<vmem>>
        tpu.enqueue_dma source(%dma_start3A_46 : memref<128x128xf32, #tpu.memory_space<vmem>>) target(%dma_start3A_43 : memref<128x128xf32, #tpu.memory_space<hbm>>) target_semaphore(%run_scoped3A : memref<!tpu.dma_semaphore, #tpu.memory_space<semaphore_mem>>)
        %dma_wait3A = arith.constant 0 : i32
        %dma_wait3A_47 = arith.constant 0 : i32
        %dma_wait3A_48 = tpu.memref_slice %arg9[%dma_wait3A, %dma_wait3A_47] : memref<128x128xf32, #tpu.memory_space<vmem>> -> memref<128x128xf32, #tpu.memory_space<vmem>>
        %dma_wait3A_49 = arith.constant 0 : i32
        %dma_wait3A_50 = tpu.memref_slice %arg4[%arg0, %add3A_35, %dma_wait3A_49] : memref<2x10240x128xf32, #tpu.memory_space<hbm>> -> memref<1x128x128xf32, #tpu.memory_space<hbm>>
        %dma_wait3A_51 = tpu.memref_squeeze %dma_wait3A_50 : memref<1x128x128xf32, #tpu.memory_space<hbm>> -> memref<128x128xf32, #tpu.memory_space<hbm>>
        %dma_wait3A_52 = arith.constant 0 : i32
        %dma_wait3A_53 = tpu.memref_slice %arg4[%arg0, %add3A_35, %dma_wait3A_52] : memref<2x10240x128xf32, #tpu.memory_space<hbm>> -> memref<1x128x128xf32, #tpu.memory_space<hbm>>
        %dma_wait3A_54 = tpu.memref_squeeze %dma_wait3A_53 : memref<1x128x128xf32, #tpu.memory_space<hbm>> -> memref<128x128xf32, #tpu.memory_space<hbm>>
        %dma_wait3A_55 = arith.constant 0 : i32
        %dma_wait3A_56 = arith.constant 0 : i32
        %dma_wait3A_57 = tpu.memref_slice %arg9[%dma_wait3A_55, %dma_wait3A_56] : memref<128x128xf32, #tpu.memory_space<vmem>> -> memref<128x128xf32, #tpu.memory_space<vmem>>
        tpu.wait_dma2 semaphore(%run_scoped3A : memref<!tpu.dma_semaphore, #tpu.memory_space<semaphore_mem>>) src(%dma_wait3A_57 : memref<128x128xf32, #tpu.memory_space<vmem>>) dst(%dma_wait3A_54 : memref<128x128xf32, #tpu.memory_space<hbm>>)
        tpu.yield
      }) : () -> ()
    }
    %scan3A_28 = arith.constant 5 : i32
    return
  }
}

module attributes {stable_mosaic.version = 14 : i64} {
  func.func @_mid_body(%arg0: i32, %arg1: memref<1x400x128xf32, #tpu.memory_space<vmem>>, %arg2: memref<1x400x128xf32, #tpu.memory_space<vmem>>, %arg3: memref<400x1xf32, #tpu.memory_space<vmem>>, %arg4: memref<400x128xf32, #tpu.memory_space<vmem>>, %arg5: memref<128x128xf32, #tpu.memory_space<vmem>>, %arg6: memref<128x128xf32, #tpu.memory_space<vmem>>, %arg7: memref<128x128xf32, #tpu.memory_space<vmem>>, %arg8: memref<400x128xf32, #tpu.memory_space<vmem>>, %arg9: memref<400x128xf32, #tpu.memory_space<vmem>>) attributes {dimension_semantics = [#tpu.dimension_semantics<arbitrary>], iteration_bounds = array<i64: 25>, scalar_prefetch = 0 : i64, scratch_operands = 0 : i64, tpu.core_type = #tpu.core_type<tc>, window_params = [{transform_indices = @transform_0, window_bounds = array<i64: 1, 400, 128>}, {transform_indices = @transform_1, window_bounds = array<i64: 1, 400, 128>}, {transform_indices = @transform_2, window_bounds = array<i64: 400, 1>}, {transform_indices = @transform_3, window_bounds = array<i64: 400, 128>}, {pipeline_mode = #tpu.pipeline_mode<synchronous>, transform_indices = @transform_4, window_bounds = array<i64: 128, 128>}, {pipeline_mode = #tpu.pipeline_mode<synchronous>, transform_indices = @transform_5, window_bounds = array<i64: 128, 128>}, {pipeline_mode = #tpu.pipeline_mode<synchronous>, transform_indices = @transform_6, window_bounds = array<i64: 128, 128>}, {transform_indices = @transform_7, window_bounds = array<i64: 400, 128>}, {transform_indices = @transform_8, window_bounds = array<i64: 400, 128>}]} {
    %get3A = arith.constant 0 : index
    %get3A_0 = arith.constant 0 : index
    %get3A_1 = arith.constant 0 : index
    %get3A_2 = vector.load %arg1[%get3A, %get3A_0, %get3A_1] : memref<1x400x128xf32, #tpu.memory_space<vmem>>, vector<1x400x128xf32>
    %get3A_3 = vector.shape_cast %get3A_2 : vector<1x400x128xf32> to vector<400x128xf32>
    %get3A_4 = arith.constant 0 : index
    %get3A_5 = arith.constant 0 : index
    %get3A_6 = arith.constant 0 : index
    %get3A_7 = vector.load %arg2[%get3A_4, %get3A_5, %get3A_6] : memref<1x400x128xf32, #tpu.memory_space<vmem>>, vector<1x400x128xf32>
    %get3A_8 = vector.shape_cast %get3A_7 : vector<1x400x128xf32> to vector<400x128xf32>
    %add3A = arith.addf %get3A_3, %get3A_8 : vector<400x128xf32>
    %get3A_9 = arith.constant 0 : index
    %get3A_10 = arith.constant 0 : index
    %get3A_11 = vector.load %arg5[%get3A_9, %get3A_10] : memref<128x128xf32, #tpu.memory_space<vmem>>, vector<128x128xf32>
    %dot_general3A = arith.constant dense<0.000000e+00> : vector<400x128xf32>
    %dot_general3A_12 = tpu.matmul %add3A, %get3A_11, %dot_general3A {dimension_numbers = #tpu.dot_dimension_numbers<[1], [1], [0], [0], [0, 0, 1, 0], [], []>, transpose_lhs_hint = false} : vector<400x128xf32>, vector<128x128xf32>, vector<400x128xf32> -> vector<400x128xf32>
    %get3A_13 = arith.constant 0 : index
    %get3A_14 = arith.constant 0 : index
    %get3A_15 = vector.load %arg3[%get3A_13, %get3A_14] : memref<400x1xf32, #tpu.memory_space<vmem>>, vector<400x1xf32>
    %mul3A = vector.broadcast %get3A_15 : vector<400x1xf32> to vector<400x128xf32>
    %mul3A_16 = arith.mulf %dot_general3A_12, %mul3A : vector<400x128xf32>
    %get3A_17 = arith.constant 0 : index
    %get3A_18 = arith.constant 0 : index
    %get3A_19 = vector.load %arg4[%get3A_17, %get3A_18] : memref<400x128xf32, #tpu.memory_space<vmem>>, vector<400x128xf32>
    %get3A_20 = arith.constant 0 : index
    %get3A_21 = arith.constant 0 : index
    %get3A_22 = vector.load %arg6[%get3A_20, %get3A_21] : memref<128x128xf32, #tpu.memory_space<vmem>>, vector<128x128xf32>
    %dot_general3A_23 = arith.constant dense<0.000000e+00> : vector<400x128xf32>
    %dot_general3A_24 = tpu.matmul %get3A_19, %get3A_22, %dot_general3A_23 {dimension_numbers = #tpu.dot_dimension_numbers<[1], [1], [0], [0], [0, 0, 1, 0], [], []>, transpose_lhs_hint = false} : vector<400x128xf32>, vector<128x128xf32>, vector<400x128xf32> -> vector<400x128xf32>
    %add3A_25 = arith.addf %mul3A_16, %dot_general3A_24 : vector<400x128xf32>
    %ge3A = arith.constant 0.000000e+00 : f32
    %ge3A_26 = vector.broadcast %ge3A : f32 to vector<400x128xf32>
    %ge3A_27 = arith.cmpf oge, %add3A_25, %ge3A_26 : vector<400x128xf32>
    %mul3A_28 = arith.constant 0.229166672 : f32
    %mul3A_29 = vector.broadcast %mul3A_28 : f32 to vector<400x128xf32>
    %mul3A_30 = arith.mulf %mul3A_29, %add3A_25 : vector<400x128xf32>
    %select_n3A = arith.select %ge3A_27, %add3A_25, %mul3A_30 : vector<400x128xi1>, vector<400x128xf32>
    %swap3A = arith.constant 0 : index
    %swap3A_31 = arith.constant 0 : index
    %swap3A_32 = vector.load %arg8[%swap3A, %swap3A_31] : memref<400x128xf32, #tpu.memory_space<vmem>>, vector<400x128xf32>
    tpu.vector_store %arg8[%swap3A, %swap3A_31], %select_n3A {strides = array<i32>} : memref<400x128xf32, #tpu.memory_space<vmem>>, vector<400x128xf32>,
    %get3A_33 = arith.constant 0 : index
    %get3A_34 = arith.constant 0 : index
    %get3A_35 = vector.load %arg7[%get3A_33, %get3A_34] : memref<128x128xf32, #tpu.memory_space<vmem>>, vector<128x128xf32>
    %dot_general3A_36 = arith.constant dense<0.000000e+00> : vector<400x128xf32>
    %dot_general3A_37 = tpu.matmul %select_n3A, %get3A_35, %dot_general3A_36 {dimension_numbers = #tpu.dot_dimension_numbers<[1], [1], [0], [0], [0, 0, 1, 0], [], []>, transpose_lhs_hint = false} : vector<400x128xf32>, vector<128x128xf32>, vector<400x128xf32> -> vector<400x128xf32>
    %swap3A_38 = arith.constant 0 : index
    %swap3A_39 = arith.constant 0 : index
    %swap3A_40 = vector.load %arg9[%swap3A_38, %swap3A_39] : memref<400x128xf32, #tpu.memory_space<vmem>>, vector<400x128xf32>
    tpu.vector_store %arg9[%swap3A_38, %swap3A_39], %dot_general3A_37 {strides = array<i32>} : memref<400x128xf32, #tpu.memory_space<vmem>>, vector<400x128xf32>,
    return
  }
  func.func @transform_0(%arg0: i32) -> (i32, i32, i32) {
    %c0_i32 = arith.constant 0 : i32
    %c0_i32_0 = arith.constant 0 : i32
    %c0_i32_1 = arith.constant 0 : i32
    return %c0_i32, %arg0, %c0_i32_0 : i32, i32, i32
  }
  func.func @transform_1(%arg0: i32) -> (i32, i32, i32) {
    %c1_i32 = arith.constant 1 : i32
    %c0_i32 = arith.constant 0 : i32
    %c0_i32_0 = arith.constant 0 : i32
    return %c1_i32, %arg0, %c0_i32 : i32, i32, i32
  }
  func.func @transform_2(%arg0: i32) -> (i32, i32) {
    %c0_i32 = arith.constant 0 : i32
    %c0_i32_0 = arith.constant 0 : i32
    return %arg0, %c0_i32 : i32, i32
  }
  func.func @transform_3(%arg0: i32) -> (i32, i32) {
    %c0_i32 = arith.constant 0 : i32
    %c0_i32_0 = arith.constant 0 : i32
    return %arg0, %c0_i32 : i32, i32
  }
  func.func @transform_4(%arg0: i32) -> (i32, i32) {
    %c0_i32 = arith.constant 0 : i32
    %c0_i32_0 = arith.constant 0 : i32
    %c0_i32_1 = arith.constant 0 : i32
    return %c0_i32, %c0_i32_0 : i32, i32
  }
  func.func @transform_5(%arg0: i32) -> (i32, i32) {
    %c0_i32 = arith.constant 0 : i32
    %c0_i32_0 = arith.constant 0 : i32
    %c0_i32_1 = arith.constant 0 : i32
    return %c0_i32, %c0_i32_0 : i32, i32
  }
  func.func @transform_6(%arg0: i32) -> (i32, i32) {
    %c0_i32 = arith.constant 0 : i32
    %c0_i32_0 = arith.constant 0 : i32
    %c0_i32_1 = arith.constant 0 : i32
    return %c0_i32, %c0_i32_0 : i32, i32
  }
  func.func @transform_7(%arg0: i32) -> (i32, i32) {
    %c0_i32 = arith.constant 0 : i32
    %c0_i32_0 = arith.constant 0 : i32
    return %arg0, %c0_i32 : i32, i32
  }
  func.func @transform_8(%arg0: i32) -> (i32, i32) {
    %c0_i32 = arith.constant 0 : i32
    %c0_i32_0 = arith.constant 0 : i32
    return %arg0, %c0_i32 : i32, i32
  }
}

module attributes {stable_mosaic.version = 14 : i64} {
  func.func @_fin_body(%arg0: i32, %arg1: memref<1x400x128xf32, #tpu.memory_space<vmem>>, %arg2: memref<1x400x128xf32, #tpu.memory_space<vmem>>, %arg3: memref<1x400x128xf32, #tpu.memory_space<vmem>>, %arg4: memref<400x1xf32, #tpu.memory_space<vmem>>, %arg5: memref<400x128xf32, #tpu.memory_space<vmem>>, %arg6: memref<128x128xf32, #tpu.memory_space<vmem>>, %arg7: memref<400x128xf32, #tpu.memory_space<vmem>>) attributes {dimension_semantics = [#tpu.dimension_semantics<arbitrary>], iteration_bounds = array<i64: 25>, scalar_prefetch = 0 : i64, scratch_operands = 0 : i64, tpu.core_type = #tpu.core_type<tc>, window_params = [{transform_indices = @transform_0, window_bounds = array<i64: 1, 400, 128>}, {transform_indices = @transform_1, window_bounds = array<i64: 1, 400, 128>}, {transform_indices = @transform_2, window_bounds = array<i64: 1, 400, 128>}, {transform_indices = @transform_3, window_bounds = array<i64: 400, 1>}, {transform_indices = @transform_4, window_bounds = array<i64: 400, 128>}, {pipeline_mode = #tpu.pipeline_mode<synchronous>, transform_indices = @transform_5, window_bounds = array<i64: 128, 128>}, {transform_indices = @transform_6, window_bounds = array<i64: 400, 128>}]} {
    %get3A = arith.constant 0 : index
    %get3A_0 = arith.constant 0 : index
    %get3A_1 = arith.constant 0 : index
    %get3A_2 = vector.load %arg1[%get3A, %get3A_0, %get3A_1] : memref<1x400x128xf32, #tpu.memory_space<vmem>>, vector<1x400x128xf32>
    %get3A_3 = vector.shape_cast %get3A_2 : vector<1x400x128xf32> to vector<400x128xf32>
    %get3A_4 = arith.constant 0 : index
    %get3A_5 = arith.constant 0 : index
    %get3A_6 = arith.constant 0 : index
    %get3A_7 = vector.load %arg2[%get3A_4, %get3A_5, %get3A_6] : memref<1x400x128xf32, #tpu.memory_space<vmem>>, vector<1x400x128xf32>
    %get3A_8 = vector.shape_cast %get3A_7 : vector<1x400x128xf32> to vector<400x128xf32>
    %add3A = arith.addf %get3A_3, %get3A_8 : vector<400x128xf32>
    %get3A_9 = arith.constant 0 : index
    %get3A_10 = arith.constant 0 : index
    %get3A_11 = arith.constant 0 : index
    %get3A_12 = vector.load %arg3[%get3A_9, %get3A_10, %get3A_11] : memref<1x400x128xf32, #tpu.memory_space<vmem>>, vector<1x400x128xf32>
    %get3A_13 = vector.shape_cast %get3A_12 : vector<1x400x128xf32> to vector<400x128xf32>
    %add3A_14 = arith.addf %add3A, %get3A_13 : vector<400x128xf32>
    %get3A_15 = arith.constant 0 : index
    %get3A_16 = arith.constant 0 : index
    %get3A_17 = vector.load %arg6[%get3A_15, %get3A_16] : memref<128x128xf32, #tpu.memory_space<vmem>>, vector<128x128xf32>
    %dot_general3A = arith.constant dense<0.000000e+00> : vector<400x128xf32>
    %dot_general3A_18 = tpu.matmul %add3A_14, %get3A_17, %dot_general3A {dimension_numbers = #tpu.dot_dimension_numbers<[1], [1], [0], [0], [0, 0, 1, 0], [], []>, transpose_lhs_hint = false} : vector<400x128xf32>, vector<128x128xf32>, vector<400x128xf32> -> vector<400x128xf32>
    %get3A_19 = arith.constant 0 : index
    %get3A_20 = arith.constant 0 : index
    %get3A_21 = vector.load %arg4[%get3A_19, %get3A_20] : memref<400x1xf32, #tpu.memory_space<vmem>>, vector<400x1xf32>
    %mul3A = vector.broadcast %get3A_21 : vector<400x1xf32> to vector<400x128xf32>
    %mul3A_22 = arith.mulf %dot_general3A_18, %mul3A : vector<400x128xf32>
    %get3A_23 = arith.constant 0 : index
    %get3A_24 = arith.constant 0 : index
    %get3A_25 = vector.load %arg5[%get3A_23, %get3A_24] : memref<400x128xf32, #tpu.memory_space<vmem>>, vector<400x128xf32>
    %add3A_26 = arith.addf %mul3A_22, %get3A_25 : vector<400x128xf32>
    %ge3A = arith.constant 0.000000e+00 : f32
    %ge3A_27 = vector.broadcast %ge3A : f32 to vector<400x128xf32>
    %ge3A_28 = arith.cmpf oge, %add3A_26, %ge3A_27 : vector<400x128xf32>
    %mul3A_29 = arith.constant 0.229166672 : f32
    %mul3A_30 = vector.broadcast %mul3A_29 : f32 to vector<400x128xf32>
    %mul3A_31 = arith.mulf %mul3A_30, %add3A_26 : vector<400x128xf32>
    %select_n3A = arith.select %ge3A_28, %add3A_26, %mul3A_31 : vector<400x128xi1>, vector<400x128xf32>
    %swap3A = arith.constant 0 : index
    %swap3A_32 = arith.constant 0 : index
    %swap3A_33 = vector.load %arg7[%swap3A, %swap3A_32] : memref<400x128xf32, #tpu.memory_space<vmem>>, vector<400x128xf32>
    tpu.vector_store %arg7[%swap3A, %swap3A_32], %select_n3A {strides = array<i32>} : memref<400x128xf32, #tpu.memory_space<vmem>>, vector<400x128xf32>,
    return
  }
  func.func @transform_0(%arg0: i32) -> (i32, i32, i32) {
    %c0_i32 = arith.constant 0 : i32
    %c0_i32_0 = arith.constant 0 : i32
    %c0_i32_1 = arith.constant 0 : i32
    return %c0_i32, %arg0, %c0_i32_0 : i32, i32, i32
  }
  func.func @transform_1(%arg0: i32) -> (i32, i32, i32) {
    %c1_i32 = arith.constant 1 : i32
    %c0_i32 = arith.constant 0 : i32
    %c0_i32_0 = arith.constant 0 : i32
    return %c1_i32, %arg0, %c0_i32 : i32, i32, i32
  }
  func.func @transform_2(%arg0: i32) -> (i32, i32, i32) {
    %c1_i32 = arith.constant 1 : i32
    %c0_i32 = arith.constant 0 : i32
    %c0_i32_0 = arith.constant 0 : i32
    return %c1_i32, %arg0, %c0_i32 : i32, i32, i32
  }
  func.func @transform_3(%arg0: i32) -> (i32, i32) {
    %c0_i32 = arith.constant 0 : i32
    %c0_i32_0 = arith.constant 0 : i32
    return %arg0, %c0_i32 : i32, i32
  }
  func.func @transform_4(%arg0: i32) -> (i32, i32) {
    %c0_i32 = arith.constant 0 : i32
    %c0_i32_0 = arith.constant 0 : i32
    return %arg0, %c0_i32 : i32, i32
  }
  func.func @transform_5(%arg0: i32) -> (i32, i32) {
    %c0_i32 = arith.constant 0 : i32
    %c0_i32_0 = arith.constant 0 : i32
    %c0_i32_1 = arith.constant 0 : i32
    return %c0_i32, %c0_i32_0 : i32, i32
  }
  func.func @transform_6(%arg0: i32) -> (i32, i32) {
    %c0_i32 = arith.constant 0 : i32
    %c0_i32_0 = arith.constant 0 : i32
    return %arg0, %c0_i32 : i32, i32
  }
}

</mosaic_0001>

<sc_bundles>
// kernel: kernel.6.cloned.1.call-start
scs
__scs_entry_jumppad:
0x0: {  	(pc) =	sbr.rel $0x88, $3  }
0x1: {  	(tag) =	ssettag $0x0;
	lr =	simm.s32 $0x1  }
0x2: {  	[smem:$0x3F98] =	sst lr;
	_ =	strace $0xD0000000  }
0x3: {  	_ = 	snop  }
0x4: {  	_ = 	snop  }
0x5: {  	_ = 	snop  }
0x6: {  	_ = 	snop  }
0x7: {  	_ = 	snop  }
__scs_overlays_trampoline_lowered:
0x8: {  	[smem:$0x3FA7] =	sst s0  }
0x9: {  	[smem:$0x3FA8] =	sst s1  }
0xa: {  	[smem:$0x3FA9] =	sst s2  }
0xb: {  	[smem:$0x3FAA] =	sst s3  }
0xc: {  	[smem:$0x3FAB] =	sst s4  }
0xd: {  	[smem:$0x3FAC] =	sst s5  }
0xe: {  	[smem:$0x3FAD] =	sst s6  }
0xf: {  	[smem:$0x3FAE] =	sst s7  }
0x10: {  	[smem:$0x3FAF] =	sst s8  }
0x11: {  	[smem:$0x3FB0] =	sst s9;
	s0 =	simm.s32 @!p0 $0x0  }
0x12: {  	s1 =	sld [smem:$0x3F96];
	s0 =	simm.s32 @p0 $0x1  }
0x13: {  	[smem:$0x3FB1] =	sst s0;
	s0 =	simm.s32 @!p1 $0x0  }
0x14: {  	s2 =	sld [smem:$0x3F95];
	s0 =	simm.s32 @p1 $0x1  }
0x15: {  	[smem:$0x3FB2] =	sst s0;
	s0 =	simm.s32 @!p2 $0x0  }
0x16: {  	s3 =	sld [smem:$0x3FDB];
	s0 =	simm.s32 @p2 $0x1  }
0x17: {  	s4 =	simm.s32 $0x1BF5;
	[smem:$0x3FB4] =	sst s0  }
0x18: {  	s0 =	sld [smem:$0x3F97];
	_ =	swait.ge [sflag:s4], $0x0  }
0x19: {  	s7 =	sld [smem:$0x3F98]  }
0x1a: {  	s8 =	sadd.s32 $0xFFFFE003, lr  }
0x1b: {  	s9 =	sadd.s32 $0xFFFFFEF7, lr;
	s5 =	simm.s32 $0xFFFFFFFF;
	p2 =	slt.u32 s8, $0xFFFFF086  }
0x1c: {  	p1 =	slt.u32 s9, $0xF7A;
	s5 =	simm.s32 @!p2 $0x0  }
0x1d: {  	s5 =	simm.s32 @p1 $0x1;
	p0 =	seq.s32 s7, s2  }
0x1e: {  	s7 =	smul.u32 @!p0 $0xF7A, s2;
	p2 =	seq.s32 @!p0 s5, $0x0  }
0x1f: {  	s9 =	smul.u32 $0xF7A, s1;
	s8 =	simm.s32 @!p0 $0x1BF5;
	p2 =	por !p2, p0  }
0x20: {  	[sflag:s8] =	ssyncset.s32 @!p0 $0xFFFFF086;
	s6 =	sadd.s32 @!p0 s3, s7;
	s7 =	simm.s32 @!p0 $0x108  }
0x21: {  	s3 =	sadd.s32 s3, s9;
	s6 =	sadd.s32 @!p0 $0x88, s6;
	s7 =	simm.s32 @p2 $0x1082  }
0x22: {  	[simem:s7], [sflag:s8] =	dma.local @!p0 [hbm:s6], $0xF7A  }
0x23: {  	s9 =	sor.u32 $0xD0000000, s2;
	s6 =	simm.s32 $0x108;
	_ =	swait.ge @!p0 [sflag:s8], $0x0  }
0x24: {  	s3 =	sadd.s32 $0x88, s3;
	s6 =	simm.s32 @!p1 $0x1082;
	[sflag:s4] =	ssyncset.s32 $0xFFFFF086  }
0x25: {  	[simem:s6], [sflag:s4] =	dma.local [hbm:s3], $0xF7A  }
0x26: {  	[smem:$0x3F98] =	sst s1;
	(tag) =	ssettag s2;
	_ =	strace s9  }
0x27: {  	s1 =	sld [smem:$0x3FA8]  }
0x28: {  	s2 =	sld [smem:$0x3FA9]  }
0x29: {  	s4 =	sld [smem:$0x3FAB]  }
0x2a: {  	p0 =	seq.s32 s5, $0x0;
	s5 =	sld [smem:$0x3FAC]  }
0x2b: {  	s6 =	sld [smem:$0x3FAD]  }
0x2c: {  	s7 =	sld [smem:$0x3FAE]  }
0x2d: {  	s3 =	simm.s32 $0x108;
	s8 =	sld [smem:$0x3FAF]  }
0x2e: {  	s3 =	simm.s32 @!p0 $0x1082;
	s9 =	sld [smem:$0x3FB0]  }
0x2f: {  	lr =	sadd.s32 s0, s3;
	s0 =	sld [smem:$0x3FA7]  }
0x30: {  	s3 =	sld [smem:$0x3FAA]  }
0x31: {  	[smem:$0x3FB3] =	sst s10  }
0x32: {  	s10 =	sld [smem:$0x3FB1];
	_ =	sdelay $0x3  }
0x33: {  	p0 =	seq.s32 s10, $0x1;
	s10 =	sld [smem:$0x3FB3];
	_ =	sdelay $0x3  }
0x34: {  	[smem:$0x3FB3] =	sst s10  }
0x35: {  	s10 =	sld [smem:$0x3FB2];
	_ =	sdelay $0x3  }
0x36: {  	p1 =	seq.s32 s10, $0x1;
	s10 =	sld [smem:$0x3FB3];
	_ =	sdelay $0x3  }
0x37: {  	[smem:$0x3FB3] =	sst s10  }
0x38: {  	s10 =	sld [smem:$0x3FB4]  }
0x39: {  	_ = 	snop;
	(pc) =	sbr.ind lr, $3  }
0x3a: {  	_ = 	snop  }
0x3b: {  	_ = 	snop  }
0x3c: {  	p2 =	seq.s32 s10, $0x1;
	s10 =	sld [smem:$0x3FB3]  }
0x3d: {  	_ =	shalt  }
0x3e: {  	_ =	shalt  }
0x3f: {  	_ =	shalt  }
0x40: {  	_ =	shalt  }
0x41: {  	_ =	shalt  }
0x42: {  	_ =	shalt  }
0x43: {  	_ =	shalt  }
0x44: {  	_ =	shalt  }
0x45: {  	_ =	shalt  }
0x46: {  	_ =	shalt  }
0x47: {  	_ =	shalt  }
0x48: {  	_ =	shalt  }
0x49: {  	_ =	shalt  }
0x4a: {  	_ =	shalt  }
0x4b: {  	_ =	shalt  }
0x4c: {  	_ =	shalt  }
0x4d: {  	_ =	shalt  }
0x4e: {  	_ =	shalt  }
0x4f: {  	_ =	shalt  }
0x50: {  	_ =	shalt  }
0x51: {  	_ =	shalt  }
0x52: {  	_ =	shalt  }
0x53: {  	_ =	shalt  }
0x54: {  	_ =	shalt  }
0x55: {  	_ =	shalt  }
0x56: {  	_ =	shalt  }
0x57: {  	_ =	shalt  }
0x58: {  	_ =	shalt  }
0x59: {  	_ =	shalt  }
0x5a: {  	_ =	shalt  }
0x5b: {  	_ =	shalt  }
0x5c: {  	_ =	shalt  }
0x5d: {  	_ =	shalt  }
0x5e: {  	_ =	shalt  }
0x5f: {  	_ =	shalt  }
0x60: {  	_ =	shalt  }
0x61: {  	_ =	shalt  }
0x62: {  	_ =	shalt  }
0x63: {  	_ =	shalt  }
0x64: {  	_ =	shalt  }
0x65: {  	_ =	shalt  }
0x66: {  	_ =	shalt  }
0x67: {  	_ =	shalt  }
0x68: {  	_ =	shalt  }
0x69: {  	_ =	shalt  }
0x6a: {  	_ =	shalt  }
0x6b: {  	_ =	shalt  }
0x6c: {  	_ =	shalt  }
0x6d: {  	_ =	shalt  }
0x6e: {  	_ =	shalt  }
0x6f: {  	_ =	shalt  }
0x70: {  	_ =	shalt  }
0x71: {  	_ =	shalt  }
0x72: {  	_ =	shalt  }
0x73: {  	_ =	shalt  }
0x74: {  	_ =	shalt  }
0x75: {  	_ =	shalt  }
0x76: {  	_ =	shalt  }
0x77: {  	_ =	shalt  }
0x78: {  	_ =	shalt  }
0x79: {  	_ =	shalt  }
0x7a: {  	_ =	shalt  }
0x7b: {  	_ =	shalt  }
0x7c: {  	_ =	shalt  }
0x7d: {  	_ =	shalt  }
0x7e: {  	_ =	shalt  }
0x7f: {  	_ =	shalt  }
0x80: {  	_ =	shalt  }
0x81: {  	_ =	shalt  }
0x82: {  	_ =	shalt  }
0x83: {  	_ =	shalt  }
0x84: {  	_ =	shalt  }
0x85: {  	_ =	shalt  }
0x86: {  	_ =	shalt  }
0x87: {  	_ =	shalt  }
.Lfunc_end0:
.L_simem_size_0:
called_computation_lowered:
.L_overlay_start_0:
0x88: {  	s2 =	sld [smem:$0x3FD9]  }
0x89: {  	s3 =	sld [smem:$0x3FFE];
	_ =	sdelay $0x1  }
0x8a: {  	s1 =	srdreg.scid  }
0x8b: {  	s0 =	sand.u32 $0x1, s1  }
0x8c: {  	s16 =	sshll.u32 s0, $0xA;
	s2 =	sadd.s32 s3, s2  }
0x8d: {  	s2 =	sadd.s32 s2, s16  }
0x8e: {  	[smem:$0x3FBF] =	sst s2  }
0x8f: {  	_ = 	snop  }
0x90: {  	(tm) =	ssettm $0x1  }
0x91: {  	s17 =	sld [smem:$0x3FFB];
	_ =	sdelay $0x3  }
0x92: {  	_ =	strace s17  }
0x93: {  	s2 =	sld [smem:$0x3FFC];
	_ =	sdelay $0x3  }
0x94: {  	_ =	strace s2  }
0x95: {  	s2 =	sld [smem:$0x3FFD];
	_ =	sdelay $0x3  }
0x96: {  	_ =	strace s2  }
0x97: {  	_ =	strace $0x8FFFFFFF  }
0x98: {  	s18 =	sld [smem:$0x3FDB];
	_ =	sdelay $0x1  }
0x99: {  	s19 =	simm.s32 $_scs_section_size  }
0x9a: {  	s4 =	simm.s32 $_size__tile_overlayer_lowered;
	s5 =	simm.s32 $_tile_overlayer_lowered  }
0x9b: {  	s22 =	simm.s32 $0x1BFF;
	s21 =	sshll.u32 s5, $0x1;
	s2 =	sadd.s32 s19, s18  }
0x9c: {  	s6 =	simm.s32 $0x0;
	s20 =	sshll.u32 s4, $0x1;
	s4 =	sadd.s32 s21, s2  }
0x9d: {  	[timem:s6], [sflag:s22] =	dma.local [hbm:s4], s20  }
0x9e: {  	_ =	swait.ge [sflag:s22], s20  }
0x9f: {  	s3 =	ssub.s32 $0x0, s20;
	[sflag:s22] =	ssyncset.done $0x0  }
0xa0: {  	[sflag:s22] =	ssyncadd.s32 s3;
	_ =	sdelay $0x1  }
0xa1: {  	s23 =	simm.s32 $0x1B8B  }
0xa2: {  	_ =	swait.ge [sflag:s23], $0x1  }
0xa3: {  	[sflag:s23] =	ssyncset.done $0x0  }
0xa4: {  	s25 =	simm.s32 $0x1B8E;
	s24 =	sld [smem:$0x3FFE];
	[sflag:s23] =	ssyncadd.s32 $0xFFFFFFFF  }
0xa5: {  	s26 =	simm.s32 $execute0_lowered;
	[smem:$0x3FD2] =	sst s25  }
0xa6: {  	s4 =	sshll.u32 s26, $0x1;
	_ =	strace $0x80000046;
	[dreg:$0x1] =	wrdreg $0xFFFFFFFF  }
0xa7: {  	s28 =	simm.s32 $_size_execute0_lowered;
	s2 =	sadd.s32 s2, s4;
	[dreg:$0x0] =	wrdreg $0x0  }
0xa8: {  	s4 =	sshll.u32 s28, $0x1;
	[dreg:$0x2] =	wrdreg s2  }
0xa9: {  	[dreg:$0x3] =	wrdreg s4  }
0xaa: {  	[dreg:$0x4] =	wrdreg $0xC0  }
0xab: {  	_ =	task [dreg:s6], $0x5FFFF  }
0xac: {  	[dreg:$0x1] =	wrdreg $0xFFFFFFFF  }
0xad: {  	[dreg:$0x0] =	wrdreg $0x60  }
0xae: {  	[dreg:$0x2] =	wrdreg s24  }
0xaf: {  	[dreg:$0x3] =	wrdreg $0x44000  }
0xb0: {  	[dreg:$0x4] =	wrdreg $0x9  }
0xb1: {  	_ =	task.clear_ibuf [dreg:s6], $0x5FFFF;
	_ =	strace $0x90000046  }
0xb2: {  	s29 =	simm.s32 $0x9;
	_ =	strace $0x80000048  }
0xb3: {  	_ =	swait.ge [sflag:s29], $0x1  }
0xb4: {  	[sflag:s29] =	ssyncadd.s32 $0xFFFFFFFF  }
0xb5: {  	_ =	strace $0x90000048  }
0xb6: {  	_ =	sfence  }
0xb7: {  	s30 =	sld [smem:$0x0];
	_ =	sdelay $0x2  }
0xb8: {  	s31 =	sshll.u32 s1, $0xD;
	s1 =	sshrl.u32 s1, $0x2  }
0xb9: {  	s3 =	sand.u32 $0x4000, s31;
	s1 =	sadd.s32 s1, s30  }
0xba: {  	s0 =	sor.u32 s3, s0;
	s1 =	sshll.u32 s1, $0x11  }
0xbb: {  	s0 =	sor.u32 s1, s0  }
0xbc: {  	s0 =	sadd.s32 $0x8F2B, s0  }
0xbd: {  	[sflag:s0] =	ssyncadd.remote.s32 $0x1  }
0xbe: {  	_ =	sfence.sel $0xFFFF  }
0xbf: {  	[dreg:$0x0] =	wrdreg $0xFFFFFFFF;
	(pc) =	sbr.abs _section_cstart, $3  }
0xc0: {  	[dreg:$0x1] =	wrdreg $0xFFFFFFFF  }
0xc1: {  	_ =	task.clear_ibuf [dreg:s6], $0x2FFFF;
	_ =	strace $0x9FFFFFFF  }
0xc2: {  	(tm) =	ssettm $0x7FFFFFFF  }
0xc3: {  	_ =	shalt  }
tec
execute0_lowered:
.L_overlay_start_1:
0x0: {  	(tag) =	ssettag $0x1  }
0x1: {  	s0 =	rddreg [dreg:$0x0]  }
0x2: {  	s1 =	rddreg [dreg:$0x1];
	s2 =	simm.s32 $0x0;
	s3 =	srdreg.scid  }
0x3: {  	s12 =	stileid.u32;
	s28 =	simm.s32 $0x80;
	s29 =	simm.s32 $0x1  }
0x4: {  	s30 =	simm.s32 $0x3;
	s31 =	simm.s32 $0x180;
	s7 =	smul.u32 $0x50000, s12  }
0x5: {  	[smem:$0x7FF] =	sst s2;
	s3 =	sand.u32 $0x1, s3;
	s26 =	smul.u32 $0x14000, s12  }
0x6: {  	s4 =	sadd.s32 $0x1E00, s0;
	s5 =	smul.u32 $0x14000, s3;
	s6 =	ssub.s32 $0x2, s3  }
0x7: {  	_ =	strace $0x80000047;
	s3 =	smul.u32 $0x140000, s3;
	s24 =	sshrl.u32 s6, $0x1  }
0x8: {  	s25 =	sshrl.u32 s7, $0x2;
	s9 =	sadd.s32 $0x4000, s26;
	s11 =	sadd.s32 $0x8000, s26  }
0x9: {  	s22 =	sadd.s32 $0xC000, s26;
	s8 =	sadd.s32 s5, s0;
	s0 =	sadd.s32 $0xB5000, s0  }
0xa: {  	s6 =	ssub.s32 s6, s24;
	s5 =	sadd.s32 s25, s1;
	s18 =	sadd.s32 s3, s26  }
0xb: {  	s10 =	sadd.s32 s3, s9;
	s20 =	sadd.s32 s3, s11;
	s9 =	sadd.s32 s9, s1  }
0xc: {  	s23 =	sadd.s32 s3, s22;
	s6 =	smax.u32 s6, $0x1;
	[dreg:$0x9] =	wrdreg s9  }
0xd: {  	s24 =	smul.u32 $0x1400, s12;
	s14 =	sadd.s32 $0x4000, s5;
	[dreg:$0x3] =	wrdreg s6  }
0xe: {  	s15 =	sadd.s32 $0x8000, s5;
	s16 =	sadd.s32 $0xC000, s5;
	[dreg:$0x4] =	wrdreg s14  }
0xf: {  	s17 =	sadd.s32 $0x10000, s5;
	s7 =	sshrl.u32 s18, $0x3;
	[dreg:$0x5] =	wrdreg s15  }
0x10: {  	s19 =	sshrl.u32 s10, $0x3;
	s21 =	sshrl.u32 s20, $0x3;
	[dreg:$0x6] =	wrdreg s16  }
0x11: {  	s25 =	sshrl.u32 s23, $0x3;
	s23 =	simm.s32 $0x100;
	[dreg:$0x7] =	wrdreg s17  }
0x12: {  	s7 =	sadd.s32 s0, s7;
	s13 =	sadd.s32 s0, s19;
	s14 =	sadd.s32 s11, s1  }
0x13: {  	s15 =	sadd.s32 s0, s21;
	s6 =	sadd.s32 $0x10000, s26;
	s16 =	sadd.s32 s22, s1  }
0x14: {  	s17 =	sadd.s32 s0, s25;
	s26 =	sadd.s32 s24, s8;
	s21 =	simm.s32 $0x400  }
0x15: {  	s22 =	simm.s32 $0x6;
	s24 =	simm.s32 $0x200;
	s25 =	simm.s32 $0x300  }
0x16: {  	s8 =	simm.s32 $0x0;
	[dreg:$0x8] =	wrdreg s7;
	s3 =	sadd.s32 s3, s6  }
0x17: {  	s18 =	sadd.s32 s6, s1;
	s20 =	sadd.s32 $0x8D000, s26;
	s26 =	simm.s32 $0x2  }
0x18: {  	s6 =	simm.s32 $0x5;
	s7 =	simm.s32 $0x380;
	s3 =	sshrl.u32 s3, $0x3  }
0x19: {  	v0 =	vimm.f32 $0.0e+00;
	s19 =	sadd.s32 s0, s3;
	s0 =	simm.s32 $0x4;
	s3 =	simm.s32 $0x280  }
.LBB2_1:
0x1a: {  	s9 =	sand.u32 $0xFE00, s2  }
0x1b: {  	s10 =	sand.u32 $0x70, s2;
	s11 =	sshrl.u32 s9, $0x2  }
0x1c: {  	s9 =	simm.s32 $0x40;
	s11 =	sor.u32 s10, s11;
	s10 =	simm.s32 $0x0  }
.LBB2_2:
0x1d: {  	p0 =	sne.s32 s9, $0xFFC0  }
0x1e: {  	[tilespmem:s11+$0x400] =	vst v0;
	s10 =	sadd.s32 $0x10, s10;
	s11 =	smov.u32 s9;
	s9 =	sadd.s32 $0x40, s9  }
.Ltmp0:
0x1f: {  	(pc) =	sbr.rel @p0 .LBB2_2-.Ltmp0, $4  }
0x20: {  	_ = 	snop  }
0x21: {  	s11 =	sand.u32 $0xFE00, s11  }
0x22: {  	s12 =	sand.u32 $0x70, s10;
	s11 =	sshrl.u32 s11, $0x2  }
0x23: {  	s11 =	sor.u32 s12, s11  }
0x24: {  	[tilespmem:s11+$0x400] =	vst v0  }
0x25: {  	[spmem:s5] =	stream.linear.scatter [tilespmem:s21], [sflag:$0x6], $0x4000, $0x38;
	[tilespmem:$0x18400] =	vst v63  }
0x26: {  	_ =	swait.ge [sflag:s22], $0x4000  }
0x27: {  	[sflag:s22] =	ssyncset.done $0x0  }
0x28: {  	s9 =	rddreg [dreg:$0x4];
	[sflag:s22] =	ssyncadd.s32 $0xFFFFC000  }
0x29: {  	[spmem:s9] =	stream.linear.scatter [tilespmem:s21], [sflag:$0x6], $0x4000, $0x38;
	[tilespmem:$0x18400] =	vst v63  }
0x2a: {  	_ =	swait.ge [sflag:s22], $0x4000  }
0x2b: {  	[sflag:s22] =	ssyncset.done $0x0  }
0x2c: {  	s11 =	rddreg [dreg:$0x5];
	[sflag:s22] =	ssyncadd.s32 $0xFFFFC000  }
0x2d: {  	[spmem:s11] =	stream.linear.scatter [tilespmem:s21], [sflag:$0x6], $0x4000, $0x38;
	[tilespmem:$0x18400] =	vst v63  }
0x2e: {  	_ =	swait.ge [sflag:s22], $0x4000  }
0x2f: {  	[sflag:s22] =	ssyncset.done $0x0  }
0x30: {  	s12 =	rddreg [dreg:$0x6];
	[sflag:s22] =	ssyncadd.s32 $0xFFFFC000  }
0x31: {  	[spmem:s12] =	stream.linear.scatter [tilespmem:s21], [sflag:$0x6], $0x4000, $0x38;
	[tilespmem:$0x18400] =	vst v63  }
0x32: {  	_ =	swait.ge [sflag:s22], $0x4000  }
0x33: {  	[sflag:s22] =	ssyncset.done $0x0  }
0x34: {  	s10 =	rddreg [dreg:$0x7];
	[sflag:s22] =	ssyncadd.s32 $0xFFFFC000  }
0x35: {  	[spmem:s10] =	stream.linear.scatter [tilespmem:s21], [sflag:$0x6], $0x4000, $0x38;
	[tilespmem:$0x18400] =	vst v63  }
0x36: {  	_ =	swait.ge [sflag:s22], $0x4000  }
0x37: {  	[sflag:s22] =	ssyncset.done $0x0  }
0x38: {  	[sflag:s22] =	ssyncadd.s32 $0xFFFFC000  }
0x39: {  	s11 =	sadd.s32 $0x0, s20;
	[bflag:$0x0] =	sbarrier.arrive $0xFFFF  }
0x3a: {  	[tilespmem:s2], [sflag:$0x2] =	stream.linear.gather [hbm4b:s11+s2], $0x100, $0x38;
	[tilespmem:$0x18400] =	vst v63  }
0x3b: {  	s10 =	sadd.s32 $0x20, s11  }
0x3c: {  	[tilespmem:s23], [sflag:$0x3] =	stream.linear.gather [hbm4b:s10+s2], $0x100, $0x38;
	[tilespmem:$0x18400] =	vst v63  }
0x3d: {  	s12 =	sadd.s32 $0x40, s11  }
0x3e: {  	[tilespmem:s24], [sflag:$0x4] =	stream.linear.gather [hbm4b:s12+s2], $0x100, $0x38;
	[tilespmem:$0x18400] =	vst v63  }
0x3f: {  	s9 =	sadd.s32 $0x60, s11  }
0x40: {  	[tilespmem:s25], [sflag:$0x5] =	stream.linear.gather [hbm4b:s9+s2], $0x100, $0x38;
	[tilespmem:$0x18400] =	vst v63  }
0x41: {  	_ =	swait.ge [sflag:s26], $0x100  }
0x42: {  	[sflag:s26] =	ssyncset.done $0x0  }
0x43: {  	[sflag:s26] =	ssyncadd.s32 $0xFFFFFF00  }
0x44: {  	[tilespmem:s21], [sflag:$0x1] =	stream.indirect.gather [hbm4b:s4+s28], $0x80, s2, s28, $0xb8;
	[tilespmem:$0x18400] =	vst v63  }
0x45: {  	_ =	swait.ge [sflag:s29], $0x4000  }
0x46: {  	[sflag:s29] =	ssyncset.done $0x0  }
0x47: {  	[sflag:s29] =	ssyncadd.s32 $0xFFFFC000  }
0x48: {  	[spmem:s1] =	stream.indirect.scatter.add.f32 [tilespmem:s21], [sflag:$0x6], $0x80, s28, s28, $0xb8;
	[tilespmem:$0x18400] =	vst v63  }
0x49: {  	_ =	swait.ge [sflag:s22], $0x4000  }
0x4a: {  	[sflag:s22] =	ssyncset.done $0x0  }
0x4b: {  	[sflag:s22] =	ssyncadd.s32 $0xFFFFC000  }
0x4c: {  	_ =	swait.ge [sflag:s30], $0x100  }
0x4d: {  	[sflag:s30] =	ssyncset.done $0x0  }
0x4e: {  	[sflag:s30] =	ssyncadd.s32 $0xFFFFFF00  }
0x4f: {  	[tilespmem:s21], [sflag:$0x1] =	stream.indirect.gather [hbm4b:s4+s28], $0x80, s23, s28, $0xb8;
	[tilespmem:$0x18400] =	vst v63  }
0x50: {  	_ =	swait.ge [sflag:s29], $0x4000  }
0x51: {  	[sflag:s29] =	ssyncset.done $0x0  }
0x52: {  	[sflag:s29] =	ssyncadd.s32 $0xFFFFC000  }
0x53: {  	[spmem:s1] =	stream.indirect.scatter.add.f32 [tilespmem:s21], [sflag:$0x6], $0x80, s31, s28, $0xb8;
	[tilespmem:$0x18400] =	vst v63  }
0x54: {  	_ =	swait.ge [sflag:s22], $0x4000  }
0x55: {  	[sflag:s22] =	ssyncset.done $0x0  }
0x56: {  	[sflag:s22] =	ssyncadd.s32 $0xFFFFC000  }
0x57: {  	_ =	swait.ge [sflag:s0], $0x100  }
0x58: {  	[sflag:s0] =	ssyncset.done $0x0  }
0x59: {  	[sflag:s0] =	ssyncadd.s32 $0xFFFFFF00  }
0x5a: {  	[tilespmem:s21], [sflag:$0x1] =	stream.indirect.gather [hbm4b:s4+s28], $0x80, s24, s28, $0xb8;
	[tilespmem:$0x18400] =	vst v63  }
0x5b: {  	_ =	swait.ge [sflag:s29], $0x4000  }
0x5c: {  	[sflag:s29] =	ssyncset.done $0x0  }
0x5d: {  	[sflag:s29] =	ssyncadd.s32 $0xFFFFC000  }
0x5e: {  	[spmem:s1] =	stream.indirect.scatter.add.f32 [tilespmem:s21], [sflag:$0x6], $0x80, s3, s28, $0xb8;
	[tilespmem:$0x18400] =	vst v63  }
0x5f: {  	_ =	swait.ge [sflag:s22], $0x4000  }
0x60: {  	[sflag:s22] =	ssyncset.done $0x0  }
0x61: {  	[sflag:s22] =	ssyncadd.s32 $0xFFFFC000  }
0x62: {  	_ =	swait.ge [sflag:s6], $0x100  }
0x63: {  	[sflag:s6] =	ssyncset.done $0x0  }
0x64: {  	[sflag:s6] =	ssyncadd.s32 $0xFFFFFF00  }
0x65: {  	[tilespmem:s21], [sflag:$0x1] =	stream.indirect.gather [hbm4b:s4+s28], $0x80, s25, s28, $0xb8;
	[tilespmem:$0x18400] =	vst v63  }
0x66: {  	_ =	swait.ge [sflag:s29], $0x4000  }
0x67: {  	[sflag:s29] =	ssyncset.done $0x0  }
0x68: {  	[sflag:s29] =	ssyncadd.s32 $0xFFFFC000  }
0x69: {  	[spmem:s1] =	stream.indirect.scatter.add.f32 [tilespmem:s21], [sflag:$0x6], $0x80, s7, s28, $0xb8;
	[tilespmem:$0x18400] =	vst v63  }
0x6a: {  	_ =	swait.ge [sflag:s22], $0x4000  }
0x6b: {  	s10 =	simm.s32 $0x100;
	s9 =	simm.s32 $0x80;
	[sflag:s22] =	ssyncset.done $0x0  }
.LBB2_4:
0x6c: {  	s12 =	sadd.s32 s9, s20  }
0x6d: {  	[sflag:s22] =	ssyncadd.s32 $0xFFFFC000;
	s9 =	smov.u32 s10;
	s11 =	sadd.s32 $0x80, s10  }
0x6e: {  	[tilespmem:s2], [sflag:$0x2] =	stream.linear.gather [hbm4b:s12+s2], $0x100, $0x38;
	[tilespmem:$0x18400] =	vst v63  }
0x6f: {  	p0 =	sne.s32 s10, $0x1380;
	s10 =	sadd.s32 $0x20, s12  }
0x70: {  	[tilespmem:s23], [sflag:$0x3] =	stream.linear.gather [hbm4b:s10+s2], $0x100, $0x38;
	[tilespmem:$0x18400] =	vst v63  }
0x71: {  	s10 =	sadd.s32 $0x40, s12  }
0x72: {  	[tilespmem:s24], [sflag:$0x4] =	stream.linear.gather [hbm4b:s10+s2], $0x100, $0x38;
	[tilespmem:$0x18400] =	vst v63  }
0x73: {  	s10 =	sadd.s32 $0x60, s12  }
0x74: {  	[tilespmem:s25], [sflag:$0x5] =	stream.linear.gather [hbm4b:s10+s2], $0x100, $0x38;
	[tilespmem:$0x18400] =	vst v63  }
0x75: {  	_ =	swait.ge [sflag:s26], $0x100  }
0x76: {  	[sflag:s26] =	ssyncset.done $0x0  }
0x77: {  	[sflag:s26] =	ssyncadd.s32 $0xFFFFFF00  }
0x78: {  	[tilespmem:s21], [sflag:$0x1] =	stream.indirect.gather [hbm4b:s4+s28], $0x80, s2, s28, $0xb8;
	[tilespmem:$0x18400] =	vst v63  }
0x79: {  	_ =	swait.ge [sflag:s29], $0x4000  }
0x7a: {  	[sflag:s29] =	ssyncset.done $0x0  }
0x7b: {  	[sflag:s29] =	ssyncadd.s32 $0xFFFFC000  }
0x7c: {  	[spmem:s1] =	stream.indirect.scatter.add.f32 [tilespmem:s21], [sflag:$0x6], $0x80, s28, s28, $0xb8;
	[tilespmem:$0x18400] =	vst v63  }
0x7d: {  	_ =	swait.ge [sflag:s22], $0x4000  }
0x7e: {  	[sflag:s22] =	ssyncset.done $0x0  }
0x7f: {  	[sflag:s22] =	ssyncadd.s32 $0xFFFFC000  }
0x80: {  	_ =	swait.ge [sflag:s30], $0x100  }
0x81: {  	[sflag:s30] =	ssyncset.done $0x0  }
0x82: {  	[sflag:s30] =	ssyncadd.s32 $0xFFFFFF00  }
0x83: {  	[tilespmem:s21], [sflag:$0x1] =	stream.indirect.gather [hbm4b:s4+s28], $0x80, s23, s28, $0xb8;
	[tilespmem:$0x18400] =	vst v63  }
0x84: {  	_ =	swait.ge [sflag:s29], $0x4000  }
0x85: {  	[sflag:s29] =	ssyncset.done $0x0  }
0x86: {  	[sflag:s29] =	ssyncadd.s32 $0xFFFFC000  }
0x87: {  	[spmem:s1] =	stream.indirect.scatter.add.f32 [tilespmem:s21], [sflag:$0x6], $0x80, s31, s28, $0xb8;
	[tilespmem:$0x18400] =	vst v63  }
0x88: {  	_ =	swait.ge [sflag:s22], $0x4000  }
0x89: {  	[sflag:s22] =	ssyncset.done $0x0  }
0x8a: {  	[sflag:s22] =	ssyncadd.s32 $0xFFFFC000  }
0x8b: {  	_ =	swait.ge [sflag:s0], $0x100  }
0x8c: {  	[sflag:s0] =	ssyncset.done $0x0  }
0x8d: {  	[sflag:s0] =	ssyncadd.s32 $0xFFFFFF00  }
0x8e: {  	[tilespmem:s21], [sflag:$0x1] =	stream.indirect.gather [hbm4b:s4+s28], $0x80, s24, s28, $0xb8;
	[tilespmem:$0x18400] =	vst v63  }
0x8f: {  	_ =	swait.ge [sflag:s29], $0x4000  }
0x90: {  	[sflag:s29] =	ssyncset.done $0x0  }
0x91: {  	[sflag:s29] =	ssyncadd.s32 $0xFFFFC000  }
0x92: {  	[spmem:s1] =	stream.indirect.scatter.add.f32 [tilespmem:s21], [sflag:$0x6], $0x80, s3, s28, $0xb8;
	[tilespmem:$0x18400] =	vst v63  }
0x93: {  	_ =	swait.ge [sflag:s22], $0x4000  }
0x94: {  	[sflag:s22] =	ssyncset.done $0x0  }
0x95: {  	[sflag:s22] =	ssyncadd.s32 $0xFFFFC000  }
0x96: {  	_ =	swait.ge [sflag:s6], $0x100  }
0x97: {  	[sflag:s6] =	ssyncset.done $0x0  }
0x98: {  	[sflag:s6] =	ssyncadd.s32 $0xFFFFFF00  }
0x99: {  	[tilespmem:s21], [sflag:$0x1] =	stream.indirect.gather [hbm4b:s4+s28], $0x80, s25, s28, $0xb8;
	[tilespmem:$0x18400] =	vst v63  }
0x9a: {  	_ =	swait.ge [sflag:s29], $0x4000  }
.Ltmp1:
0x9b: {  	[sflag:s29] =	ssyncset.done $0x0;
	(pc) =	sbr.rel @p0 .LBB2_4-.Ltmp1, $4  }
0x9c: {  	[sflag:s29] =	ssyncadd.s32 $0xFFFFC000  }
0x9d: {  	[spmem:s1] =	stream.indirect.scatter.add.f32 [tilespmem:s21], [sflag:$0x6], $0x80, s7, s28, $0xb8;
	[tilespmem:$0x18400] =	vst v63  }
0x9e: {  	_ =	swait.ge [sflag:s22], $0x4000  }
0x9f: {  	s10 =	smov.u32 s11;
	[sflag:s22] =	ssyncset.done $0x0  }
0xa0: {  	s9 =	sadd.s32 s9, s20;
	[sflag:s22] =	ssyncadd.s32 $0xFFFFC000  }
0xa1: {  	[tilespmem:s2], [sflag:$0x2] =	stream.linear.gather [hbm4b:s9+s2], $0x100, $0x38;
	[tilespmem:$0x18400] =	vst v63  }
0xa2: {  	s10 =	sadd.s32 $0x20, s9  }
0xa3: {  	[tilespmem:s23], [sflag:$0x3] =	stream.linear.gather [hbm4b:s10+s2], $0x100, $0x38;
	[tilespmem:$0x18400] =	vst v63  }
0xa4: {  	s12 =	sadd.s32 $0x40, s9  }
0xa5: {  	[tilespmem:s24], [sflag:$0x4] =	stream.linear.gather [hbm4b:s12+s2], $0x100, $0x38;
	[tilespmem:$0x18400] =	vst v63  }
0xa6: {  	s9 =	sadd.s32 $0x60, s9  }
0xa7: {  	[tilespmem:s25], [sflag:$0x5] =	stream.linear.gather [hbm4b:s9+s2], $0x100, $0x38;
	[tilespmem:$0x18400] =	vst v63  }
0xa8: {  	_ =	swait.ge [sflag:s26], $0x100  }
0xa9: {  	[sflag:s26] =	ssyncset.done $0x0  }
0xaa: {  	[sflag:s26] =	ssyncadd.s32 $0xFFFFFF00  }
0xab: {  	[tilespmem:s21], [sflag:$0x1] =	stream.indirect.gather [hbm4b:s4+s28], $0x80, s2, s28, $0xb8;
	[tilespmem:$0x18400] =	vst v63  }
0xac: {  	_ =	swait.ge [sflag:s29], $0x4000  }
0xad: {  	[sflag:s29] =	ssyncset.done $0x0  }
0xae: {  	[sflag:s29] =	ssyncadd.s32 $0xFFFFC000  }
0xaf: {  	[spmem:s1] =	stream.indirect.scatter.add.f32 [tilespmem:s21], [sflag:$0x6], $0x80, s28, s28, $0xb8;
	[tilespmem:$0x18400] =	vst v63  }
0xb0: {  	_ =	swait.ge [sflag:s22], $0x4000  }
0xb1: {  	[sflag:s22] =	ssyncset.done $0x0  }
0xb2: {  	[sflag:s22] =	ssyncadd.s32 $0xFFFFC000  }
0xb3: {  	_ =	swait.ge [sflag:s30], $0x100  }
0xb4: {  	[sflag:s30] =	ssyncset.done $0x0  }
0xb5: {  	[sflag:s30] =	ssyncadd.s32 $0xFFFFFF00  }
0xb6: {  	[tilespmem:s21], [sflag:$0x1] =	stream.indirect.gather [hbm4b:s4+s28], $0x80, s23, s28, $0xb8;
	[tilespmem:$0x18400] =	vst v63  }
0xb7: {  	_ =	swait.ge [sflag:s29], $0x4000  }
0xb8: {  	[sflag:s29] =	ssyncset.done $0x0  }
0xb9: {  	[sflag:s29] =	ssyncadd.s32 $0xFFFFC000  }
0xba: {  	[spmem:s1] =	stream.indirect.scatter.add.f32 [tilespmem:s21], [sflag:$0x6], $0x80, s31, s28, $0xb8;
	[tilespmem:$0x18400] =	vst v63  }
0xbb: {  	_ =	swait.ge [sflag:s22], $0x4000  }
0xbc: {  	[sflag:s22] =	ssyncset.done $0x0  }
0xbd: {  	[sflag:s22] =	ssyncadd.s32 $0xFFFFC000  }
0xbe: {  	_ =	swait.ge [sflag:s0], $0x100  }
0xbf: {  	[sflag:s0] =	ssyncset.done $0x0  }
0xc0: {  	[sflag:s0] =	ssyncadd.s32 $0xFFFFFF00  }
0xc1: {  	[tilespmem:s21], [sflag:$0x1] =	stream.indirect.gather [hbm4b:s4+s28], $0x80, s24, s28, $0xb8;
	[tilespmem:$0x18400] =	vst v63  }
0xc2: {  	_ =	swait.ge [sflag:s29], $0x4000  }
0xc3: {  	[sflag:s29] =	ssyncset.done $0x0  }
0xc4: {  	[sflag:s29] =	ssyncadd.s32 $0xFFFFC000  }
0xc5: {  	[spmem:s1] =	stream.indirect.scatter.add.f32 [tilespmem:s21], [sflag:$0x6], $0x80, s3, s28, $0xb8;
	[tilespmem:$0x18400] =	vst v63  }
0xc6: {  	_ =	swait.ge [sflag:s22], $0x4000  }
0xc7: {  	[sflag:s22] =	ssyncset.done $0x0  }
0xc8: {  	[sflag:s22] =	ssyncadd.s32 $0xFFFFC000  }
0xc9: {  	_ =	swait.ge [sflag:s6], $0x100  }
0xca: {  	[sflag:s6] =	ssyncset.done $0x0  }
0xcb: {  	[sflag:s6] =	ssyncadd.s32 $0xFFFFFF00  }
0xcc: {  	[tilespmem:s21], [sflag:$0x1] =	stream.indirect.gather [hbm4b:s4+s28], $0x80, s25, s28, $0xb8;
	[tilespmem:$0x18400] =	vst v63  }
0xcd: {  	_ =	swait.ge [sflag:s29], $0x4000  }
0xce: {  	[sflag:s29] =	ssyncset.done $0x0  }
0xcf: {  	[sflag:s29] =	ssyncadd.s32 $0xFFFFC000  }
0xd0: {  	[spmem:s1] =	stream.indirect.scatter.add.f32 [tilespmem:s21], [sflag:$0x6], $0x80, s7, s28, $0xb8;
	[tilespmem:$0x18400] =	vst v63  }
0xd1: {  	_ =	swait.ge [sflag:s22], $0x4000  }
0xd2: {  	[sflag:s22] =	ssyncset.done $0x0  }
0xd3: {  	[sflag:s22] =	ssyncadd.s32 $0xFFFFC000  }
0xd4: {  	[bflag:$0x0] =	sbarrier.arrive $0xFFFF  }
0xd5: {  	[tilespmem:s21], [sflag:$0x6] =	stream.linear.gather [spmem:s5], $0x4000, $0x38;
	[tilespmem:$0x18400] =	vst v63  }
0xd6: {  	_ =	swait.ge [sflag:s22], $0x4000  }
0xd7: {  	[sflag:s22] =	ssyncset.done $0x0  }
0xd8: {  	s10 =	rddreg [dreg:$0x8];
	[sflag:s22] =	ssyncadd.s32 $0xFFFFC000  }
0xd9: {  	[hbm4b:s10+s2] =	stream.linear.scatter [tilespmem:s21], [sflag:$0x6], $0x4000, $0x38;
	[tilespmem:$0x18400] =	vst v63  }
0xda: {  	_ =	swait.ge [sflag:s22], $0x4000  }
0xdb: {  	[sflag:s22] =	ssyncset.done $0x0  }
0xdc: {  	s11 =	rddreg [dreg:$0x9];
	[sflag:s22] =	ssyncadd.s32 $0xFFFFC000  }
0xdd: {  	[tilespmem:s21], [sflag:$0x6] =	stream.linear.gather [spmem:s11], $0x4000, $0x38;
	[tilespmem:$0x18400] =	vst v63  }
0xde: {  	_ =	swait.ge [sflag:s22], $0x4000  }
0xdf: {  	[sflag:s22] =	ssyncset.done $0x0  }
0xe0: {  	[sflag:s22] =	ssyncadd.s32 $0xFFFFC000  }
0xe1: {  	[hbm4b:s13+s2] =	stream.linear.scatter [tilespmem:s21], [sflag:$0x6], $0x4000, $0x38;
	[tilespmem:$0x18400] =	vst v63  }
0xe2: {  	_ =	swait.ge [sflag:s22], $0x4000  }
0xe3: {  	[sflag:s22] =	ssyncset.done $0x0  }
0xe4: {  	[sflag:s22] =	ssyncadd.s32 $0xFFFFC000  }
0xe5: {  	[tilespmem:s21], [sflag:$0x6] =	stream.linear.gather [spmem:s14], $0x4000, $0x38;
	[tilespmem:$0x18400] =	vst v63  }
0xe6: {  	_ =	swait.ge [sflag:s22], $0x4000  }
0xe7: {  	[sflag:s22] =	ssyncset.done $0x0  }
0xe8: {  	[sflag:s22] =	ssyncadd.s32 $0xFFFFC000  }
0xe9: {  	[hbm4b:s15+s2] =	stream.linear.scatter [tilespmem:s21], [sflag:$0x6], $0x4000, $0x38;
	[tilespmem:$0x18400] =	vst v63  }
0xea: {  	_ =	swait.ge [sflag:s22], $0x4000  }
0xeb: {  	[sflag:s22] =	ssyncset.done $0x0  }
0xec: {  	[sflag:s22] =	ssyncadd.s32 $0xFFFFC000  }
0xed: {  	[tilespmem:s21], [sflag:$0x6] =	stream.linear.gather [spmem:s16], $0x4000, $0x38;
	[tilespmem:$0x18400] =	vst v63  }
0xee: {  	_ =	swait.ge [sflag:s22], $0x4000  }
0xef: {  	[sflag:s22] =	ssyncset.done $0x0  }
0xf0: {  	[sflag:s22] =	ssyncadd.s32 $0xFFFFC000  }
0xf1: {  	[hbm4b:s17+s2] =	stream.linear.scatter [tilespmem:s21], [sflag:$0x6], $0x4000, $0x38;
	[tilespmem:$0x18400] =	vst v63  }
0xf2: {  	_ =	swait.ge [sflag:s22], $0x4000  }
0xf3: {  	[sflag:s22] =	ssyncset.done $0x0  }
0xf4: {  	[sflag:s22] =	ssyncadd.s32 $0xFFFFC000  }
0xf5: {  	[tilespmem:s21], [sflag:$0x6] =	stream.linear.gather [spmem:s18], $0x4000, $0x38;
	[tilespmem:$0x18400] =	vst v63  }
0xf6: {  	_ =	swait.ge [sflag:s22], $0x4000  }
0xf7: {  	[sflag:s22] =	ssyncset.done $0x0  }
0xf8: {  	[sflag:s22] =	ssyncadd.s32 $0xFFFFC000  }
0xf9: {  	[hbm4b:s19+s2] =	stream.linear.scatter [tilespmem:s21], [sflag:$0x6], $0x4000, $0x38;
	[tilespmem:$0x18400] =	vst v63  }
0xfa: {  	_ =	swait.ge [sflag:s22], $0x4000  }
0xfb: {  	s8 =	sadd.s32 $0x1, s8;
	s12 =	rddreg [dreg:$0x3]  }
0xfc: {  	p0 =	sne.s32 s8, s12  }
.Ltmp2:
0xfd: {  	_ = 	snop;
	(pc) =	sbr.rel @p0 .LBB2_1-.Ltmp2, $3  }
0xfe: {  	_ =	sdelay $0x1  }
0xff: {  	[sflag:s22] =	ssyncset.done $0x0  }
0x100: {  	[sflag:s22] =	ssyncadd.s32 $0xFFFFC000  }
0x101: {  	_ =	sfence.sel $0x180000  }
0x102: {  	[bflag:$0x0] =	sbarrier.arrive $0xFFFF  }
0x103: {  	_ =	strace $0x90000047  }
0x104: {  	s0 =	stileid.u32;
	[bflag:$0x2] =	sbarrier.arrive $0xFFFF  }
0x105: {  	p0 =	sne.s32 s0, $0x0;
	s0 =	rddreg [dreg:$0x2]  }
0x106: {  	s0 =	sadd.s32 @!p0 $0x100000, s0  }
0x107: {  	[sflag:s0] =	ssyncadd.tile.s32 @!p0 $0x1;
	_ =	shalt  }
.Lfunc_end2:
_tile_overlayer_lowered:
.L_overlay_start_2:
0x108: {  	(tag) =	ssettag $0x2  }
0x109: {  	s0 =	rddreg [dreg:$0x0];
	s2 =	stileid.u32  }
0x10a: {  	s1 =	rddreg [dreg:$0x1];
	p0 =	sne.s32 s2, $0x0  }
0x10b: {  	s3 =	rddreg [dreg:$0x2];
	[bflag:$0x3] =	sbarrier.arrive $0xFFFF;
	s2 =	simm.s32 @!p0 $0x1C06  }
0x10c: {  	[timem:s3], [sflag:s2] =	dma.local @!p0 [hbm:s0], s1  }
0x10d: {  	s0 =	simm.s32 @!p0 $0x6  }
0x10e: {  	_ =	swait.ge @!p0 [sflag:s0], s1  }
0x10f: {  	s1 =	ssub.s32 @!p0 $0x0, s1;
	[sflag:s0] =	ssyncset.done @!p0 $0x0  }
0x110: {  	[sflag:s0] =	ssyncadd.s32 @!p0 s1  }
0x111: {  	[bflag:$0x3] =	sbarrier.arrive $0xFFFF  }
0x112: {  	_ =	shalt  }

// kernel: kernel.9.cloned.1.call-start
scs
__scs_entry_jumppad:
0x0: {  	(pc) =	sbr.rel $0x88, $3  }
0x1: {  	(tag) =	ssettag $0x0;
	lr =	simm.s32 $0x1  }
0x2: {  	[smem:$0x3F98] =	sst lr;
	_ =	strace $0xD0000000  }
0x3: {  	_ = 	snop  }
0x4: {  	_ = 	snop  }
0x5: {  	_ = 	snop  }
0x6: {  	_ = 	snop  }
0x7: {  	_ = 	snop  }
__scs_overlays_trampoline_lowered:
0x8: {  	[smem:$0x3FA7] =	sst s0  }
0x9: {  	[smem:$0x3FA8] =	sst s1  }
0xa: {  	[smem:$0x3FA9] =	sst s2  }
0xb: {  	[smem:$0x3FAA] =	sst s3  }
0xc: {  	[smem:$0x3FAB] =	sst s4  }
0xd: {  	[smem:$0x3FAC] =	sst s5  }
0xe: {  	[smem:$0x3FAD] =	sst s6  }
0xf: {  	[smem:$0x3FAE] =	sst s7  }
0x10: {  	[smem:$0x3FAF] =	sst s8  }
0x11: {  	[smem:$0x3FB0] =	sst s9;
	s0 =	simm.s32 @!p0 $0x0  }
0x12: {  	s1 =	sld [smem:$0x3F96];
	s0 =	simm.s32 @p0 $0x1  }
0x13: {  	[smem:$0x3FB1] =	sst s0;
	s0 =	simm.s32 @!p1 $0x0  }
0x14: {  	s2 =	sld [smem:$0x3F95];
	s0 =	simm.s32 @p1 $0x1  }
0x15: {  	[smem:$0x3FB2] =	sst s0;
	s0 =	simm.s32 @!p2 $0x0  }
0x16: {  	s3 =	sld [smem:$0x3FDB];
	s0 =	simm.s32 @p2 $0x1  }
0x17: {  	s4 =	simm.s32 $0x1BF5;
	[smem:$0x3FB4] =	sst s0  }
0x18: {  	s0 =	sld [smem:$0x3F97];
	_ =	swait.ge [sflag:s4], $0x0  }
0x19: {  	s7 =	sld [smem:$0x3F98]  }
0x1a: {  	s8 =	sadd.s32 $0xFFFFE003, lr  }
0x1b: {  	s9 =	sadd.s32 $0xFFFFFEF7, lr;
	s5 =	simm.s32 $0xFFFFFFFF;
	p2 =	slt.u32 s8, $0xFFFFF086  }
0x1c: {  	p1 =	slt.u32 s9, $0xF7A;
	s5 =	simm.s32 @!p2 $0x0  }
0x1d: {  	s5 =	simm.s32 @p1 $0x1;
	p0 =	seq.s32 s7, s2  }
0x1e: {  	s7 =	smul.u32 @!p0 $0xF7A, s2;
	p2 =	seq.s32 @!p0 s5, $0x0  }
0x1f: {  	s9 =	smul.u32 $0xF7A, s1;
	s8 =	simm.s32 @!p0 $0x1BF5;
	p2 =	por !p2, p0  }
0x20: {  	[sflag:s8] =	ssyncset.s32 @!p0 $0xFFFFF086;
	s6 =	sadd.s32 @!p0 s3, s7;
	s7 =	simm.s32 @!p0 $0x108  }
0x21: {  	s3 =	sadd.s32 s3, s9;
	s6 =	sadd.s32 @!p0 $0x88, s6;
	s7 =	simm.s32 @p2 $0x1082  }
0x22: {  	[simem:s7], [sflag:s8] =	dma.local @!p0 [hbm:s6], $0xF7A  }
0x23: {  	s9 =	sor.u32 $0xD0000000, s2;
	s6 =	simm.s32 $0x108;
	_ =	swait.ge @!p0 [sflag:s8], $0x0  }
0x24: {  	s3 =	sadd.s32 $0x88, s3;
	s6 =	simm.s32 @!p1 $0x1082;
	[sflag:s4] =	ssyncset.s32 $0xFFFFF086  }
0x25: {  	[simem:s6], [sflag:s4] =	dma.local [hbm:s3], $0xF7A  }
0x26: {  	[smem:$0x3F98] =	sst s1;
	(tag) =	ssettag s2;
	_ =	strace s9  }
0x27: {  	s1 =	sld [smem:$0x3FA8]  }
0x28: {  	s2 =	sld [smem:$0x3FA9]  }
0x29: {  	s4 =	sld [smem:$0x3FAB]  }
0x2a: {  	p0 =	seq.s32 s5, $0x0;
	s5 =	sld [smem:$0x3FAC]  }
0x2b: {  	s6 =	sld [smem:$0x3FAD]  }
0x2c: {  	s7 =	sld [smem:$0x3FAE]  }
0x2d: {  	s3 =	simm.s32 $0x108;
	s8 =	sld [smem:$0x3FAF]  }
0x2e: {  	s3 =	simm.s32 @!p0 $0x1082;
	s9 =	sld [smem:$0x3FB0]  }
0x2f: {  	lr =	sadd.s32 s0, s3;
	s0 =	sld [smem:$0x3FA7]  }
0x30: {  	s3 =	sld [smem:$0x3FAA]  }
0x31: {  	[smem:$0x3FB3] =	sst s10  }
0x32: {  	s10 =	sld [smem:$0x3FB1];
	_ =	sdelay $0x3  }
0x33: {  	p0 =	seq.s32 s10, $0x1;
	s10 =	sld [smem:$0x3FB3];
	_ =	sdelay $0x3  }
0x34: {  	[smem:$0x3FB3] =	sst s10  }
0x35: {  	s10 =	sld [smem:$0x3FB2];
	_ =	sdelay $0x3  }
0x36: {  	p1 =	seq.s32 s10, $0x1;
	s10 =	sld [smem:$0x3FB3];
	_ =	sdelay $0x3  }
0x37: {  	[smem:$0x3FB3] =	sst s10  }
0x38: {  	s10 =	sld [smem:$0x3FB4]  }
0x39: {  	_ = 	snop;
	(pc) =	sbr.ind lr, $3  }
0x3a: {  	_ = 	snop  }
0x3b: {  	_ = 	snop  }
0x3c: {  	p2 =	seq.s32 s10, $0x1;
	s10 =	sld [smem:$0x3FB3]  }
0x3d: {  	_ =	shalt  }
0x3e: {  	_ =	shalt  }
0x3f: {  	_ =	shalt  }
0x40: {  	_ =	shalt  }
0x41: {  	_ =	shalt  }
0x42: {  	_ =	shalt  }
0x43: {  	_ =	shalt  }
0x44: {  	_ =	shalt  }
0x45: {  	_ =	shalt  }
0x46: {  	_ =	shalt  }
0x47: {  	_ =	shalt  }
0x48: {  	_ =	shalt  }
0x49: {  	_ =	shalt  }
0x4a: {  	_ =	shalt  }
0x4b: {  	_ =	shalt  }
0x4c: {  	_ =	shalt  }
0x4d: {  	_ =	shalt  }
0x4e: {  	_ =	shalt  }
0x4f: {  	_ =	shalt  }
0x50: {  	_ =	shalt  }
0x51: {  	_ =	shalt  }
0x52: {  	_ =	shalt  }
0x53: {  	_ =	shalt  }
0x54: {  	_ =	shalt  }
0x55: {  	_ =	shalt  }
0x56: {  	_ =	shalt  }
0x57: {  	_ =	shalt  }
0x58: {  	_ =	shalt  }
0x59: {  	_ =	shalt  }
0x5a: {  	_ =	shalt  }
0x5b: {  	_ =	shalt  }
0x5c: {  	_ =	shalt  }
0x5d: {  	_ =	shalt  }
0x5e: {  	_ =	shalt  }
0x5f: {  	_ =	shalt  }
0x60: {  	_ =	shalt  }
0x61: {  	_ =	shalt  }
0x62: {  	_ =	shalt  }
0x63: {  	_ =	shalt  }
0x64: {  	_ =	shalt  }
0x65: {  	_ =	shalt  }
0x66: {  	_ =	shalt  }
0x67: {  	_ =	shalt  }
0x68: {  	_ =	shalt  }
0x69: {  	_ =	shalt  }
0x6a: {  	_ =	shalt  }
0x6b: {  	_ =	shalt  }
0x6c: {  	_ =	shalt  }
0x6d: {  	_ =	shalt  }
0x6e: {  	_ =	shalt  }
0x6f: {  	_ =	shalt  }
0x70: {  	_ =	shalt  }
0x71: {  	_ =	shalt  }
0x72: {  	_ =	shalt  }
0x73: {  	_ =	shalt  }
0x74: {  	_ =	shalt  }
0x75: {  	_ =	shalt  }
0x76: {  	_ =	shalt  }
0x77: {  	_ =	shalt  }
0x78: {  	_ =	shalt  }
0x79: {  	_ =	shalt  }
0x7a: {  	_ =	shalt  }
0x7b: {  	_ =	shalt  }
0x7c: {  	_ =	shalt  }
0x7d: {  	_ =	shalt  }
0x7e: {  	_ =	shalt  }
0x7f: {  	_ =	shalt  }
0x80: {  	_ =	shalt  }
0x81: {  	_ =	shalt  }
0x82: {  	_ =	shalt  }
0x83: {  	_ =	shalt  }
0x84: {  	_ =	shalt  }
0x85: {  	_ =	shalt  }
0x86: {  	_ =	shalt  }
0x87: {  	_ =	shalt  }
.Lfunc_end0:
.L_simem_size_0:
called_computation.1_lowered:
.L_overlay_start_0:
0x88: {  	s2 =	sld [smem:$0x3FD9]  }
0x89: {  	s3 =	sld [smem:$0x3FFE];
	_ =	sdelay $0x1  }
0x8a: {  	s1 =	srdreg.scid  }
0x8b: {  	s0 =	sand.u32 $0x1, s1  }
0x8c: {  	s17 =	sshll.u32 s0, $0xA;
	s2 =	sadd.s32 s3, s2  }
0x8d: {  	s2 =	sadd.s32 s2, s17  }
0x8e: {  	[smem:$0x3FBF] =	sst s2  }
0x8f: {  	_ = 	snop  }
0x90: {  	s2 =	sld [smem:$0x3FD0];
	(tm) =	ssettm $0x1  }
0x91: {  	s18 =	sld [smem:$0x3FFB];
	_ =	sdelay $0x3  }
0x92: {  	_ =	strace s18  }
0x93: {  	s3 =	sld [smem:$0x3FFC];
	_ =	sdelay $0x3  }
0x94: {  	_ =	strace s3  }
0x95: {  	s3 =	sld [smem:$0x3FFD];
	_ =	sdelay $0x3  }
0x96: {  	_ =	strace s3  }
0x97: {  	_ =	strace $0x8FFFFFFF  }
0x98: {  	s19 =	sld [smem:$0x3FDB];
	_ =	sdelay $0x1  }
0x99: {  	s4 =	simm.s32 $_scs_section_size  }
0x9a: {  	s5 =	simm.s32 $_size__tile_overlayer_lowered;
	s6 =	simm.s32 $_tile_overlayer_lowered  }
0x9b: {  	s22 =	simm.s32 $0x1BFF;
	s21 =	sshll.u32 s6, $0x1;
	s3 =	sadd.s32 s4, s19  }
0x9c: {  	s7 =	simm.s32 $0x0;
	s20 =	sshll.u32 s5, $0x1;
	s5 =	sadd.s32 s21, s3  }
0x9d: {  	[timem:s7], [sflag:s22] =	dma.local [hbm:s5], s20  }
0x9e: {  	_ =	swait.ge [sflag:s22], s20  }
0x9f: {  	s4 =	ssub.s32 $0x0, s20;
	[sflag:s22] =	ssyncset.done $0x0  }
0xa0: {  	[sflag:s22] =	ssyncadd.s32 s4;
	_ =	sdelay $0x1  }
0xa1: {  	s23 =	simm.s32 $0x1B8B  }
0xa2: {  	_ =	swait.ge [sflag:s23], $0x1  }
0xa3: {  	[sflag:s23] =	ssyncset.done $0x0  }
0xa4: {  	s25 =	simm.s32 $0x1B8E;
	s24 =	sld [smem:$0x3FFE];
	[sflag:s23] =	ssyncadd.s32 $0xFFFFFFFF  }
0xa5: {  	s26 =	simm.s32 $execute0_lowered;
	[smem:$0x3FD2] =	sst s25  }
0xa6: {  	s5 =	sshll.u32 s26, $0x1;
	_ =	strace $0x80000049;
	[dreg:$0x1] =	wrdreg $0xFFFFFFFF  }
0xa7: {  	s28 =	simm.s32 $_size_execute0_lowered;
	s3 =	sadd.s32 s3, s5;
	[dreg:$0x0] =	wrdreg $0x0  }
0xa8: {  	s5 =	sshll.u32 s28, $0x1;
	[dreg:$0x2] =	wrdreg s3  }
0xa9: {  	[dreg:$0x3] =	wrdreg s5  }
0xaa: {  	[dreg:$0x4] =	wrdreg $0xC0  }
0xab: {  	_ =	task [dreg:s7], $0x5FFFF  }
0xac: {  	[dreg:$0x1] =	wrdreg $0xFFFFFFFF  }
0xad: {  	[dreg:$0x0] =	wrdreg $0x60  }
0xae: {  	[dreg:$0x2] =	wrdreg s2  }
0xaf: {  	[dreg:$0x3] =	wrdreg s24  }
0xb0: {  	[dreg:$0x4] =	wrdreg $0x44000  }
0xb1: {  	[dreg:$0x5] =	wrdreg $0x9  }
0xb2: {  	_ =	task.clear_ibuf [dreg:s7], $0x6FFFF;
	_ =	strace $0x90000049  }
0xb3: {  	s29 =	simm.s32 $0x9;
	_ =	strace $0x8000004B  }
0xb4: {  	_ =	swait.ge [sflag:s29], $0x1  }
0xb5: {  	[sflag:s29] =	ssyncadd.s32 $0xFFFFFFFF  }
0xb6: {  	_ =	strace $0x9000004B  }
0xb7: {  	_ =	sfence  }
0xb8: {  	s30 =	sld [smem:$0x0];
	_ =	sdelay $0x2  }
0xb9: {  	s31 =	sshll.u32 s1, $0xD;
	s1 =	sshrl.u32 s1, $0x2  }
0xba: {  	s3 =	sand.u32 $0x4000, s31;
	s1 =	sadd.s32 s1, s30  }
0xbb: {  	s0 =	sor.u32 s3, s0;
	s1 =	sshll.u32 s1, $0x11  }
0xbc: {  	s0 =	sor.u32 s1, s0  }
0xbd: {  	s0 =	sadd.s32 $0x8F2B, s0  }
0xbe: {  	[sflag:s0] =	ssyncadd.remote.s32 $0x1  }
0xbf: {  	_ =	sfence.sel $0xFFFF  }
0xc0: {  	[dreg:$0x0] =	wrdreg $0xFFFFFFFF;
	(pc) =	sbr.abs _section_cstart, $3  }
0xc1: {  	[dreg:$0x1] =	wrdreg $0xFFFFFFFF  }
0xc2: {  	_ =	task.clear_ibuf [dreg:s7], $0x2FFFF;
	_ =	strace $0x9FFFFFFF  }
0xc3: {  	(tm) =	ssettm $0x7FFFFFFF  }
tec
execute0_lowered:
.L_overlay_start_1:
0x0: {  	(tag) =	ssettag $0x1  }
0x1: {  	s1 =	rddreg [dreg:$0x0]  }
0x2: {  	s0 =	rddreg [dreg:$0x1]  }
0x3: {  	s2 =	rddreg [dreg:$0x2];
	s3 =	simm.s32 $0x0  }
0x4: {  	s4 =	srdreg.scid;
	s12 =	stileid.u32;
	s28 =	simm.s32 $0x80  }
0x5: {  	s29 =	simm.s32 $0x1;
	s30 =	simm.s32 $0x3;
	s7 =	smul.u32 $0x50000, s12  }
0x6: {  	s31 =	simm.s32 $0x180;
	s4 =	sand.u32 $0x1, s4;
	s26 =	smul.u32 $0x14000, s12  }
0x7: {  	[smem:$0x7FF] =	sst s3;
	s5 =	smul.u32 $0xA000, s4;
	s6 =	ssub.s32 $0x2, s4  }
0x8: {  	_ =	strace $0x8000004A;
	s4 =	smul.u32 $0x140000, s4;
	s24 =	sshrl.u32 s6, $0x1  }
0x9: {  	s25 =	sshrl.u32 s7, $0x2;
	s9 =	sadd.s32 $0x4000, s26;
	s11 =	sadd.s32 $0x8000, s26  }
0xa: {  	s22 =	sadd.s32 $0xC000, s26;
	s8 =	sadd.s32 s5, s0;
	s0 =	sadd.s32 $0x1E00, s0  }
0xb: {  	s6 =	ssub.s32 s6, s24;
	s5 =	sadd.s32 s25, s2;
	s18 =	sadd.s32 s4, s26  }
0xc: {  	s10 =	sadd.s32 s4, s9;
	s20 =	sadd.s32 s4, s11;
	s9 =	sadd.s32 s9, s2  }
0xd: {  	s23 =	sadd.s32 s4, s22;
	s6 =	smax.u32 s6, $0x1;
	[dreg:$0xa] =	wrdreg s9  }
0xe: {  	s24 =	smul.u32 $0xA00, s12;
	s14 =	sadd.s32 $0x4000, s5;
	[dreg:$0x4] =	wrdreg s6  }
0xf: {  	s15 =	sadd.s32 $0x8000, s5;
	s16 =	sadd.s32 $0xC000, s5;
	[dreg:$0x5] =	wrdreg s14  }
0x10: {  	s17 =	sadd.s32 $0x10000, s5;
	s7 =	sshrl.u32 s18, $0x3;
	[dreg:$0x6] =	wrdreg s15  }
0x11: {  	s19 =	sshrl.u32 s10, $0x3;
	s21 =	sshrl.u32 s20, $0x3;
	[dreg:$0x7] =	wrdreg s16  }
0x12: {  	s25 =	sshrl.u32 s23, $0x3;
	s23 =	simm.s32 $0x100;
	[dreg:$0x8] =	wrdreg s17  }
0x13: {  	s7 =	sadd.s32 s0, s7;
	s13 =	sadd.s32 s0, s19;
	s14 =	sadd.s32 s11, s2  }
0x14: {  	s15 =	sadd.s32 s0, s21;
	s6 =	sadd.s32 $0x10000, s26;
	s16 =	sadd.s32 s22, s2  }
0x15: {  	s17 =	sadd.s32 s0, s25;
	s26 =	sadd.s32 s24, s8;
	s21 =	simm.s32 $0x400  }
0x16: {  	s22 =	simm.s32 $0x6;
	s24 =	simm.s32 $0x200;
	s25 =	simm.s32 $0x300  }
0x17: {  	s8 =	simm.s32 $0x0;
	[dreg:$0x9] =	wrdreg s7;
	s4 =	sadd.s32 s4, s6  }
0x18: {  	s18 =	sadd.s32 s6, s2;
	s20 =	sadd.s32 $0x105000, s26;
	s26 =	simm.s32 $0x2  }
0x19: {  	s6 =	simm.s32 $0x5;
	s7 =	simm.s32 $0x380;
	s4 =	sshrl.u32 s4, $0x3  }
0x1a: {  	v0 =	vimm.f32 $0.0e+00;
	s19 =	sadd.s32 s0, s4;
	s0 =	simm.s32 $0x4;
	s4 =	simm.s32 $0x280  }
.LBB2_1:
0x1b: {  	s9 =	sand.u32 $0xFE00, s3  }
0x1c: {  	s10 =	sand.u32 $0x70, s3;
	s11 =	sshrl.u32 s9, $0x2  }
0x1d: {  	s9 =	simm.s32 $0x40;
	s11 =	sor.u32 s10, s11;
	s10 =	simm.s32 $0x0  }
.LBB2_2:
0x1e: {  	p0 =	sne.s32 s9, $0xFFC0  }
0x1f: {  	[tilespmem:s11+$0x400] =	vst v0;
	s10 =	sadd.s32 $0x10, s10;
	s11 =	smov.u32 s9;
	s9 =	sadd.s32 $0x40, s9  }
.Ltmp0:
0x20: {  	(pc) =	sbr.rel @p0 .LBB2_2-.Ltmp0, $4  }
0x21: {  	_ = 	snop  }
0x22: {  	s11 =	sand.u32 $0xFE00, s11  }
0x23: {  	s12 =	sand.u32 $0x70, s10;
	s11 =	sshrl.u32 s11, $0x2  }
0x24: {  	s11 =	sor.u32 s12, s11  }
0x25: {  	[tilespmem:s11+$0x400] =	vst v0  }
0x26: {  	[spmem:s5] =	stream.linear.scatter [tilespmem:s21], [sflag:$0x6], $0x4000, $0x38;
	[tilespmem:$0x18400] =	vst v63  }
0x27: {  	_ =	swait.ge [sflag:s22], $0x4000  }
0x28: {  	[sflag:s22] =	ssyncset.done $0x0  }
0x29: {  	s9 =	rddreg [dreg:$0x5];
	[sflag:s22] =	ssyncadd.s32 $0xFFFFC000  }
0x2a: {  	[spmem:s9] =	stream.linear.scatter [tilespmem:s21], [sflag:$0x6], $0x4000, $0x38;
	[tilespmem:$0x18400] =	vst v63  }
0x2b: {  	_ =	swait.ge [sflag:s22], $0x4000  }
0x2c: {  	[sflag:s22] =	ssyncset.done $0x0  }
0x2d: {  	s11 =	rddreg [dreg:$0x6];
	[sflag:s22] =	ssyncadd.s32 $0xFFFFC000  }
0x2e: {  	[spmem:s11] =	stream.linear.scatter [tilespmem:s21], [sflag:$0x6], $0x4000, $0x38;
	[tilespmem:$0x18400] =	vst v63  }
0x2f: {  	_ =	swait.ge [sflag:s22], $0x4000  }
0x30: {  	[sflag:s22] =	ssyncset.done $0x0  }
0x31: {  	s12 =	rddreg [dreg:$0x7];
	[sflag:s22] =	ssyncadd.s32 $0xFFFFC000  }
0x32: {  	[spmem:s12] =	stream.linear.scatter [tilespmem:s21], [sflag:$0x6], $0x4000, $0x38;
	[tilespmem:$0x18400] =	vst v63  }
0x33: {  	_ =	swait.ge [sflag:s22], $0x4000  }
0x34: {  	[sflag:s22] =	ssyncset.done $0x0  }
0x35: {  	s10 =	rddreg [dreg:$0x8];
	[sflag:s22] =	ssyncadd.s32 $0xFFFFC000  }
0x36: {  	[spmem:s10] =	stream.linear.scatter [tilespmem:s21], [sflag:$0x6], $0x4000, $0x38;
	[tilespmem:$0x18400] =	vst v63  }
0x37: {  	_ =	swait.ge [sflag:s22], $0x4000  }
0x38: {  	[sflag:s22] =	ssyncset.done $0x0  }
0x39: {  	[sflag:s22] =	ssyncadd.s32 $0xFFFFC000  }
0x3a: {  	s11 =	sadd.s32 $0x0, s20;
	[bflag:$0x0] =	sbarrier.arrive $0xFFFF  }
0x3b: {  	[tilespmem:s3], [sflag:$0x2] =	stream.linear.gather [hbm4b:s11+s3], $0x100, $0x38;
	[tilespmem:$0x18400] =	vst v63  }
0x3c: {  	s10 =	sadd.s32 $0x20, s11  }
0x3d: {  	[tilespmem:s23], [sflag:$0x3] =	stream.linear.gather [hbm4b:s10+s3], $0x100, $0x38;
	[tilespmem:$0x18400] =	vst v63  }
0x3e: {  	s12 =	sadd.s32 $0x40, s11  }
0x3f: {  	[tilespmem:s24], [sflag:$0x4] =	stream.linear.gather [hbm4b:s12+s3], $0x100, $0x38;
	[tilespmem:$0x18400] =	vst v63  }
0x40: {  	s9 =	sadd.s32 $0x60, s11  }
0x41: {  	[tilespmem:s25], [sflag:$0x5] =	stream.linear.gather [hbm4b:s9+s3], $0x100, $0x38;
	[tilespmem:$0x18400] =	vst v63  }
0x42: {  	_ =	swait.ge [sflag:s26], $0x100  }
0x43: {  	[sflag:s26] =	ssyncset.done $0x0  }
0x44: {  	[sflag:s26] =	ssyncadd.s32 $0xFFFFFF00  }
0x45: {  	[tilespmem:s21], [sflag:$0x1] =	stream.indirect.gather [hbm4b:s1+s28], $0x80, s3, s28, $0xb8;
	[tilespmem:$0x18400] =	vst v63  }
0x46: {  	_ =	swait.ge [sflag:s29], $0x4000  }
0x47: {  	[sflag:s29] =	ssyncset.done $0x0  }
0x48: {  	[sflag:s29] =	ssyncadd.s32 $0xFFFFC000  }
0x49: {  	[spmem:s2] =	stream.indirect.scatter.add.f32 [tilespmem:s21], [sflag:$0x6], $0x80, s28, s28, $0xb8;
	[tilespmem:$0x18400] =	vst v63  }
0x4a: {  	_ =	swait.ge [sflag:s22], $0x4000  }
0x4b: {  	[sflag:s22] =	ssyncset.done $0x0  }
0x4c: {  	[sflag:s22] =	ssyncadd.s32 $0xFFFFC000  }
0x4d: {  	_ =	swait.ge [sflag:s30], $0x100  }
0x4e: {  	[sflag:s30] =	ssyncset.done $0x0  }
0x4f: {  	[sflag:s30] =	ssyncadd.s32 $0xFFFFFF00  }
0x50: {  	[tilespmem:s21], [sflag:$0x1] =	stream.indirect.gather [hbm4b:s1+s28], $0x80, s23, s28, $0xb8;
	[tilespmem:$0x18400] =	vst v63  }
0x51: {  	_ =	swait.ge [sflag:s29], $0x4000  }
0x52: {  	[sflag:s29] =	ssyncset.done $0x0  }
0x53: {  	[sflag:s29] =	ssyncadd.s32 $0xFFFFC000  }
0x54: {  	[spmem:s2] =	stream.indirect.scatter.add.f32 [tilespmem:s21], [sflag:$0x6], $0x80, s31, s28, $0xb8;
	[tilespmem:$0x18400] =	vst v63  }
0x55: {  	_ =	swait.ge [sflag:s22], $0x4000  }
0x56: {  	[sflag:s22] =	ssyncset.done $0x0  }
0x57: {  	[sflag:s22] =	ssyncadd.s32 $0xFFFFC000  }
0x58: {  	_ =	swait.ge [sflag:s0], $0x100  }
0x59: {  	[sflag:s0] =	ssyncset.done $0x0  }
0x5a: {  	[sflag:s0] =	ssyncadd.s32 $0xFFFFFF00  }
0x5b: {  	[tilespmem:s21], [sflag:$0x1] =	stream.indirect.gather [hbm4b:s1+s28], $0x80, s24, s28, $0xb8;
	[tilespmem:$0x18400] =	vst v63  }
0x5c: {  	_ =	swait.ge [sflag:s29], $0x4000  }
0x5d: {  	[sflag:s29] =	ssyncset.done $0x0  }
0x5e: {  	[sflag:s29] =	ssyncadd.s32 $0xFFFFC000  }
0x5f: {  	[spmem:s2] =	stream.indirect.scatter.add.f32 [tilespmem:s21], [sflag:$0x6], $0x80, s4, s28, $0xb8;
	[tilespmem:$0x18400] =	vst v63  }
0x60: {  	_ =	swait.ge [sflag:s22], $0x4000  }
0x61: {  	[sflag:s22] =	ssyncset.done $0x0  }
0x62: {  	[sflag:s22] =	ssyncadd.s32 $0xFFFFC000  }
0x63: {  	_ =	swait.ge [sflag:s6], $0x100  }
0x64: {  	[sflag:s6] =	ssyncset.done $0x0  }
0x65: {  	[sflag:s6] =	ssyncadd.s32 $0xFFFFFF00  }
0x66: {  	[tilespmem:s21], [sflag:$0x1] =	stream.indirect.gather [hbm4b:s1+s28], $0x80, s25, s28, $0xb8;
	[tilespmem:$0x18400] =	vst v63  }
0x67: {  	_ =	swait.ge [sflag:s29], $0x4000  }
0x68: {  	[sflag:s29] =	ssyncset.done $0x0  }
0x69: {  	[sflag:s29] =	ssyncadd.s32 $0xFFFFC000  }
0x6a: {  	[spmem:s2] =	stream.indirect.scatter.add.f32 [tilespmem:s21], [sflag:$0x6], $0x80, s7, s28, $0xb8;
	[tilespmem:$0x18400] =	vst v63  }
0x6b: {  	_ =	swait.ge [sflag:s22], $0x4000  }
0x6c: {  	s10 =	simm.s32 $0x100;
	s9 =	simm.s32 $0x80;
	[sflag:s22] =	ssyncset.done $0x0  }
.LBB2_4:
0x6d: {  	s12 =	sadd.s32 s9, s20  }
0x6e: {  	[sflag:s22] =	ssyncadd.s32 $0xFFFFC000;
	s9 =	smov.u32 s10;
	s11 =	sadd.s32 $0x80, s10  }
0x6f: {  	[tilespmem:s3], [sflag:$0x2] =	stream.linear.gather [hbm4b:s12+s3], $0x100, $0x38;
	[tilespmem:$0x18400] =	vst v63  }
0x70: {  	p0 =	sne.s32 s10, $0x980;
	s10 =	sadd.s32 $0x20, s12  }
0x71: {  	[tilespmem:s23], [sflag:$0x3] =	stream.linear.gather [hbm4b:s10+s3], $0x100, $0x38;
	[tilespmem:$0x18400] =	vst v63  }
0x72: {  	s10 =	sadd.s32 $0x40, s12  }
0x73: {  	[tilespmem:s24], [sflag:$0x4] =	stream.linear.gather [hbm4b:s10+s3], $0x100, $0x38;
	[tilespmem:$0x18400] =	vst v63  }
0x74: {  	s10 =	sadd.s32 $0x60, s12  }
0x75: {  	[tilespmem:s25], [sflag:$0x5] =	stream.linear.gather [hbm4b:s10+s3], $0x100, $0x38;
	[tilespmem:$0x18400] =	vst v63  }
0x76: {  	_ =	swait.ge [sflag:s26], $0x100  }
0x77: {  	[sflag:s26] =	ssyncset.done $0x0  }
0x78: {  	[sflag:s26] =	ssyncadd.s32 $0xFFFFFF00  }
0x79: {  	[tilespmem:s21], [sflag:$0x1] =	stream.indirect.gather [hbm4b:s1+s28], $0x80, s3, s28, $0xb8;
	[tilespmem:$0x18400] =	vst v63  }
0x7a: {  	_ =	swait.ge [sflag:s29], $0x4000  }
0x7b: {  	[sflag:s29] =	ssyncset.done $0x0  }
0x7c: {  	[sflag:s29] =	ssyncadd.s32 $0xFFFFC000  }
0x7d: {  	[spmem:s2] =	stream.indirect.scatter.add.f32 [tilespmem:s21], [sflag:$0x6], $0x80, s28, s28, $0xb8;
	[tilespmem:$0x18400] =	vst v63  }
0x7e: {  	_ =	swait.ge [sflag:s22], $0x4000  }
0x7f: {  	[sflag:s22] =	ssyncset.done $0x0  }
0x80: {  	[sflag:s22] =	ssyncadd.s32 $0xFFFFC000  }
0x81: {  	_ =	swait.ge [sflag:s30], $0x100  }
0x82: {  	[sflag:s30] =	ssyncset.done $0x0  }
0x83: {  	[sflag:s30] =	ssyncadd.s32 $0xFFFFFF00  }
0x84: {  	[tilespmem:s21], [sflag:$0x1] =	stream.indirect.gather [hbm4b:s1+s28], $0x80, s23, s28, $0xb8;
	[tilespmem:$0x18400] =	vst v63  }
0x85: {  	_ =	swait.ge [sflag:s29], $0x4000  }
0x86: {  	[sflag:s29] =	ssyncset.done $0x0  }
0x87: {  	[sflag:s29] =	ssyncadd.s32 $0xFFFFC000  }
0x88: {  	[spmem:s2] =	stream.indirect.scatter.add.f32 [tilespmem:s21], [sflag:$0x6], $0x80, s31, s28, $0xb8;
	[tilespmem:$0x18400] =	vst v63  }
0x89: {  	_ =	swait.ge [sflag:s22], $0x4000  }
0x8a: {  	[sflag:s22] =	ssyncset.done $0x0  }
0x8b: {  	[sflag:s22] =	ssyncadd.s32 $0xFFFFC000  }
0x8c: {  	_ =	swait.ge [sflag:s0], $0x100  }
0x8d: {  	[sflag:s0] =	ssyncset.done $0x0  }
0x8e: {  	[sflag:s0] =	ssyncadd.s32 $0xFFFFFF00  }
0x8f: {  	[tilespmem:s21], [sflag:$0x1] =	stream.indirect.gather [hbm4b:s1+s28], $0x80, s24, s28, $0xb8;
	[tilespmem:$0x18400] =	vst v63  }
0x90: {  	_ =	swait.ge [sflag:s29], $0x4000  }
0x91: {  	[sflag:s29] =	ssyncset.done $0x0  }
0x92: {  	[sflag:s29] =	ssyncadd.s32 $0xFFFFC000  }
0x93: {  	[spmem:s2] =	stream.indirect.scatter.add.f32 [tilespmem:s21], [sflag:$0x6], $0x80, s4, s28, $0xb8;
	[tilespmem:$0x18400] =	vst v63  }
0x94: {  	_ =	swait.ge [sflag:s22], $0x4000  }
0x95: {  	[sflag:s22] =	ssyncset.done $0x0  }
0x96: {  	[sflag:s22] =	ssyncadd.s32 $0xFFFFC000  }
0x97: {  	_ =	swait.ge [sflag:s6], $0x100  }
0x98: {  	[sflag:s6] =	ssyncset.done $0x0  }
0x99: {  	[sflag:s6] =	ssyncadd.s32 $0xFFFFFF00  }
0x9a: {  	[tilespmem:s21], [sflag:$0x1] =	stream.indirect.gather [hbm4b:s1+s28], $0x80, s25, s28, $0xb8;
	[tilespmem:$0x18400] =	vst v63  }
0x9b: {  	_ =	swait.ge [sflag:s29], $0x4000  }
.Ltmp1:
0x9c: {  	[sflag:s29] =	ssyncset.done $0x0;
	(pc) =	sbr.rel @p0 .LBB2_4-.Ltmp1, $4  }
0x9d: {  	[sflag:s29] =	ssyncadd.s32 $0xFFFFC000  }
0x9e: {  	[spmem:s2] =	stream.indirect.scatter.add.f32 [tilespmem:s21], [sflag:$0x6], $0x80, s7, s28, $0xb8;
	[tilespmem:$0x18400] =	vst v63  }
0x9f: {  	_ =	swait.ge [sflag:s22], $0x4000  }
0xa0: {  	s10 =	smov.u32 s11;
	[sflag:s22] =	ssyncset.done $0x0  }
0xa1: {  	s9 =	sadd.s32 s9, s20;
	[sflag:s22] =	ssyncadd.s32 $0xFFFFC000  }
0xa2: {  	[tilespmem:s3], [sflag:$0x2] =	stream.linear.gather [hbm4b:s9+s3], $0x100, $0x38;
	[tilespmem:$0x18400] =	vst v63  }
0xa3: {  	s10 =	sadd.s32 $0x20, s9  }
0xa4: {  	[tilespmem:s23], [sflag:$0x3] =	stream.linear.gather [hbm4b:s10+s3], $0x100, $0x38;
	[tilespmem:$0x18400] =	vst v63  }
0xa5: {  	s12 =	sadd.s32 $0x40, s9  }
0xa6: {  	[tilespmem:s24], [sflag:$0x4] =	stream.linear.gather [hbm4b:s12+s3], $0x100, $0x38;
	[tilespmem:$0x18400] =	vst v63  }
0xa7: {  	s9 =	sadd.s32 $0x60, s9  }
0xa8: {  	[tilespmem:s25], [sflag:$0x5] =	stream.linear.gather [hbm4b:s9+s3], $0x100, $0x38;
	[tilespmem:$0x18400] =	vst v63  }
0xa9: {  	_ =	swait.ge [sflag:s26], $0x100  }
0xaa: {  	[sflag:s26] =	ssyncset.done $0x0  }
0xab: {  	[sflag:s26] =	ssyncadd.s32 $0xFFFFFF00  }
0xac: {  	[tilespmem:s21], [sflag:$0x1] =	stream.indirect.gather [hbm4b:s1+s28], $0x80, s3, s28, $0xb8;
	[tilespmem:$0x18400] =	vst v63  }
0xad: {  	_ =	swait.ge [sflag:s29], $0x4000  }
0xae: {  	[sflag:s29] =	ssyncset.done $0x0  }
0xaf: {  	[sflag:s29] =	ssyncadd.s32 $0xFFFFC000  }
0xb0: {  	[spmem:s2] =	stream.indirect.scatter.add.f32 [tilespmem:s21], [sflag:$0x6], $0x80, s28, s28, $0xb8;
	[tilespmem:$0x18400] =	vst v63  }
0xb1: {  	_ =	swait.ge [sflag:s22], $0x4000  }
0xb2: {  	[sflag:s22] =	ssyncset.done $0x0  }
0xb3: {  	[sflag:s22] =	ssyncadd.s32 $0xFFFFC000  }
0xb4: {  	_ =	swait.ge [sflag:s30], $0x100  }
0xb5: {  	[sflag:s30] =	ssyncset.done $0x0  }
0xb6: {  	[sflag:s30] =	ssyncadd.s32 $0xFFFFFF00  }
0xb7: {  	[tilespmem:s21], [sflag:$0x1] =	stream.indirect.gather [hbm4b:s1+s28], $0x80, s23, s28, $0xb8;
	[tilespmem:$0x18400] =	vst v63  }
0xb8: {  	_ =	swait.ge [sflag:s29], $0x4000  }
0xb9: {  	[sflag:s29] =	ssyncset.done $0x0  }
0xba: {  	[sflag:s29] =	ssyncadd.s32 $0xFFFFC000  }
0xbb: {  	[spmem:s2] =	stream.indirect.scatter.add.f32 [tilespmem:s21], [sflag:$0x6], $0x80, s31, s28, $0xb8;
	[tilespmem:$0x18400] =	vst v63  }
0xbc: {  	_ =	swait.ge [sflag:s22], $0x4000  }
0xbd: {  	[sflag:s22] =	ssyncset.done $0x0  }
0xbe: {  	[sflag:s22] =	ssyncadd.s32 $0xFFFFC000  }
0xbf: {  	_ =	swait.ge [sflag:s0], $0x100  }
0xc0: {  	[sflag:s0] =	ssyncset.done $0x0  }
0xc1: {  	[sflag:s0] =	ssyncadd.s32 $0xFFFFFF00  }
0xc2: {  	[tilespmem:s21], [sflag:$0x1] =	stream.indirect.gather [hbm4b:s1+s28], $0x80, s24, s28, $0xb8;
	[tilespmem:$0x18400] =	vst v63  }
0xc3: {  	_ =	swait.ge [sflag:s29], $0x4000  }
0xc4: {  	[sflag:s29] =	ssyncset.done $0x0  }
0xc5: {  	[sflag:s29] =	ssyncadd.s32 $0xFFFFC000  }
0xc6: {  	[spmem:s2] =	stream.indirect.scatter.add.f32 [tilespmem:s21], [sflag:$0x6], $0x80, s4, s28, $0xb8;
	[tilespmem:$0x18400] =	vst v63  }
0xc7: {  	_ =	swait.ge [sflag:s22], $0x4000  }
0xc8: {  	[sflag:s22] =	ssyncset.done $0x0  }
0xc9: {  	[sflag:s22] =	ssyncadd.s32 $0xFFFFC000  }
0xca: {  	_ =	swait.ge [sflag:s6], $0x100  }
0xcb: {  	[sflag:s6] =	ssyncset.done $0x0  }
0xcc: {  	[sflag:s6] =	ssyncadd.s32 $0xFFFFFF00  }
0xcd: {  	[tilespmem:s21], [sflag:$0x1] =	stream.indirect.gather [hbm4b:s1+s28], $0x80, s25, s28, $0xb8;
	[tilespmem:$0x18400] =	vst v63  }
0xce: {  	_ =	swait.ge [sflag:s29], $0x4000  }
0xcf: {  	[sflag:s29] =	ssyncset.done $0x0  }
0xd0: {  	[sflag:s29] =	ssyncadd.s32 $0xFFFFC000  }
0xd1: {  	[spmem:s2] =	stream.indirect.scatter.add.f32 [tilespmem:s21], [sflag:$0x6], $0x80, s7, s28, $0xb8;
	[tilespmem:$0x18400] =	vst v63  }
0xd2: {  	_ =	swait.ge [sflag:s22], $0x4000  }
0xd3: {  	[sflag:s22] =	ssyncset.done $0x0  }
0xd4: {  	[sflag:s22] =	ssyncadd.s32 $0xFFFFC000  }
0xd5: {  	[bflag:$0x0] =	sbarrier.arrive $0xFFFF  }
0xd6: {  	[tilespmem:s21], [sflag:$0x6] =	stream.linear.gather [spmem:s5], $0x4000, $0x38;
	[tilespmem:$0x18400] =	vst v63  }
0xd7: {  	_ =	swait.ge [sflag:s22], $0x4000  }
0xd8: {  	[sflag:s22] =	ssyncset.done $0x0  }
0xd9: {  	s10 =	rddreg [dreg:$0x9];
	[sflag:s22] =	ssyncadd.s32 $0xFFFFC000  }
0xda: {  	[hbm4b:s10+s3] =	stream.linear.scatter [tilespmem:s21], [sflag:$0x6], $0x4000, $0x38;
	[tilespmem:$0x18400] =	vst v63  }
0xdb: {  	_ =	swait.ge [sflag:s22], $0x4000  }
0xdc: {  	[sflag:s22] =	ssyncset.done $0x0  }
0xdd: {  	s11 =	rddreg [dreg:$0xa];
	[sflag:s22] =	ssyncadd.s32 $0xFFFFC000  }
0xde: {  	[tilespmem:s21], [sflag:$0x6] =	stream.linear.gather [spmem:s11], $0x4000, $0x38;
	[tilespmem:$0x18400] =	vst v63  }
0xdf: {  	_ =	swait.ge [sflag:s22], $0x4000  }
0xe0: {  	[sflag:s22] =	ssyncset.done $0x0  }
0xe1: {  	[sflag:s22] =	ssyncadd.s32 $0xFFFFC000  }
0xe2: {  	[hbm4b:s13+s3] =	stream.linear.scatter [tilespmem:s21], [sflag:$0x6], $0x4000, $0x38;
	[tilespmem:$0x18400] =	vst v63  }
0xe3: {  	_ =	swait.ge [sflag:s22], $0x4000  }
0xe4: {  	[sflag:s22] =	ssyncset.done $0x0  }
0xe5: {  	[sflag:s22] =	ssyncadd.s32 $0xFFFFC000  }
0xe6: {  	[tilespmem:s21], [sflag:$0x6] =	stream.linear.gather [spmem:s14], $0x4000, $0x38;
	[tilespmem:$0x18400] =	vst v63  }
0xe7: {  	_ =	swait.ge [sflag:s22], $0x4000  }
0xe8: {  	[sflag:s22] =	ssyncset.done $0x0  }
0xe9: {  	[sflag:s22] =	ssyncadd.s32 $0xFFFFC000  }
0xea: {  	[hbm4b:s15+s3] =	stream.linear.scatter [tilespmem:s21], [sflag:$0x6], $0x4000, $0x38;
	[tilespmem:$0x18400] =	vst v63  }
0xeb: {  	_ =	swait.ge [sflag:s22], $0x4000  }
0xec: {  	[sflag:s22] =	ssyncset.done $0x0  }
0xed: {  	[sflag:s22] =	ssyncadd.s32 $0xFFFFC000  }
0xee: {  	[tilespmem:s21], [sflag:$0x6] =	stream.linear.gather [spmem:s16], $0x4000, $0x38;
	[tilespmem:$0x18400] =	vst v63  }
0xef: {  	_ =	swait.ge [sflag:s22], $0x4000  }
0xf0: {  	[sflag:s22] =	ssyncset.done $0x0  }
0xf1: {  	[sflag:s22] =	ssyncadd.s32 $0xFFFFC000  }
0xf2: {  	[hbm4b:s17+s3] =	stream.linear.scatter [tilespmem:s21], [sflag:$0x6], $0x4000, $0x38;
	[tilespmem:$0x18400] =	vst v63  }
0xf3: {  	_ =	swait.ge [sflag:s22], $0x4000  }
0xf4: {  	[sflag:s22] =	ssyncset.done $0x0  }
0xf5: {  	[sflag:s22] =	ssyncadd.s32 $0xFFFFC000  }
0xf6: {  	[tilespmem:s21], [sflag:$0x6] =	stream.linear.gather [spmem:s18], $0x4000, $0x38;
	[tilespmem:$0x18400] =	vst v63  }
0xf7: {  	_ =	swait.ge [sflag:s22], $0x4000  }
0xf8: {  	[sflag:s22] =	ssyncset.done $0x0  }
0xf9: {  	[sflag:s22] =	ssyncadd.s32 $0xFFFFC000  }
0xfa: {  	[hbm4b:s19+s3] =	stream.linear.scatter [tilespmem:s21], [sflag:$0x6], $0x4000, $0x38;
	[tilespmem:$0x18400] =	vst v63  }
0xfb: {  	_ =	swait.ge [sflag:s22], $0x4000  }
0xfc: {  	s8 =	sadd.s32 $0x1, s8;
	s12 =	rddreg [dreg:$0x4]  }
0xfd: {  	p0 =	sne.s32 s8, s12  }
.Ltmp2:
0xfe: {  	_ = 	snop;
	(pc) =	sbr.rel @p0 .LBB2_1-.Ltmp2, $3  }
0xff: {  	_ =	sdelay $0x1  }
0x100: {  	[sflag:s22] =	ssyncset.done $0x0  }
0x101: {  	[sflag:s22] =	ssyncadd.s32 $0xFFFFC000  }
0x102: {  	_ =	sfence.sel $0x180000  }
0x103: {  	[bflag:$0x0] =	sbarrier.arrive $0xFFFF  }
0x104: {  	_ =	strace $0x9000004A  }
0x105: {  	s0 =	stileid.u32;
	[bflag:$0x2] =	sbarrier.arrive $0xFFFF  }
0x106: {  	p0 =	sne.s32 s0, $0x0;
	s0 =	rddreg [dreg:$0x3]  }
0x107: {  	s0 =	sadd.s32 @!p0 $0x100000, s0  }
0x108: {  	[sflag:s0] =	ssyncadd.tile.s32 @!p0 $0x1;
	_ =	shalt  }
.Lfunc_end2:
_tile_overlayer_lowered:
.L_overlay_start_2:
0x109: {  	(tag) =	ssettag $0x2  }
0x10a: {  	s0 =	rddreg [dreg:$0x0];
	s2 =	stileid.u32  }
0x10b: {  	s1 =	rddreg [dreg:$0x1];
	p0 =	sne.s32 s2, $0x0  }
0x10c: {  	s3 =	rddreg [dreg:$0x2];
	[bflag:$0x3] =	sbarrier.arrive $0xFFFF;
	s2 =	simm.s32 @!p0 $0x1C06  }
0x10d: {  	[timem:s3], [sflag:s2] =	dma.local @!p0 [hbm:s0], s1  }
0x10e: {  	s0 =	simm.s32 @!p0 $0x6  }
0x10f: {  	_ =	swait.ge @!p0 [sflag:s0], s1  }
0x110: {  	s1 =	ssub.s32 @!p0 $0x0, s1;
	[sflag:s0] =	ssyncset.done @!p0 $0x0  }
0x111: {  	[sflag:s0] =	ssyncadd.s32 @!p0 s1  }
0x112: {  	[bflag:$0x3] =	sbarrier.arrive $0xFFFF  }
0x113: {  	_ =	shalt  }

</sc_bundles>
